<compile_context>
chip_gen: v7x
topology: tpu7x:2x2x1
jax: 0.10.2.dev20260603
libtpu: 0.0.44.dev20260713+nightly
codegen_flags: <defaults>
</compile_context>

<pallas_src>
import functools

import numpy as np

import jax
import jax.numpy as jnp
from jax import lax
from jax.experimental import pallas as pl
from jax.experimental.pallas import tpu as pltpu
from jax.experimental.pallas import tpu_sc as plsc

_NODE_NUM = [1024, 768, 512, 1024, 896, 640, 1024, 1024]
_B = len(_NODE_NUM)
_D = 128
_MAXN = 1024
_MAXE = 3072
_MAXLEN = _MAXN + _MAXE + 1

_TOTAL_NODES = sum(_NODE_NUM)
_TOTAL_EDGES = 3 * _TOTAL_NODES

_NW = 32
_PW = _TOTAL_NODES // _NW
_CH = 72
_NCH = _PW // _CH
_RTILE = 512


def _sc_gather(slot_idx, orf0):
    mesh = plsc.VectorSubcoreMesh(core_axis_name="c", subcore_axis_name="s")

    @functools.partial(
        pl.kernel,
        out_type=jax.ShapeDtypeStruct((_TOTAL_NODES, _D), jnp.float32),
        mesh=mesh,
        scratch_types=[
            pltpu.VMEM((_PW,), jnp.int32),
            pltpu.VMEM((_NCH, _CH, _D), jnp.float32),
            pltpu.SemaphoreType.DMA,
        ],
        compiler_params=pltpu.CompilerParams(needs_layout_passes=False),
    )
    def run(idx_hbm, orf_hbm, out_hbm, kv, rows, gsem):
        wid = lax.axis_index("s") * 2 + lax.axis_index("c")
        base = wid * _PW
        pltpu.sync_copy(idx_hbm.at[pl.ds(base, _PW)], kv)
        gcopies = []
        for c in range(_NCH):
            gcopies.append(pltpu.async_copy(
                orf_hbm.at[kv.at[pl.ds(c * _CH, _CH)]], rows.at[c], gsem))
        for c in range(_NCH):
            gcopies[c].wait()
            pltpu.sync_copy(rows.at[c],
                            out_hbm.at[pl.ds(base + c * _CH, _CH)])

    return run(slot_idx, orf0)


def _split_bf16(x):
    hi = x.astype(jnp.bfloat16)
    lo = (x - hi.astype(jnp.float32)).astype(jnp.bfloat16)
    return hi, lo


def _tc_body(num_ref, noff_ref, eoff_ref, node_hbm, edge_hbm, gn_hbm,
             es_v, ed_v, a1_ref, a2_ref, a12_ref, ow_ref,
             outf_ref, ps_ref, pd_ref,
             node_v, edge_v, gn_v, nsem, esem, gsem):
    g = pl.program_id(0)
    n = num_ref[g]
    no = noff_ref[g]
    eo = eoff_ref[g]
    n3 = n * 3
    ow0 = ow_ref[0:1, :]
    ow1 = ow_ref[1:2, :]

    cp_g = pltpu.make_async_copy(gn_hbm.at[pl.ds(no, _MAXN)], gn_v, gsem)
    cp_n = pltpu.make_async_copy(node_hbm.at[pl.ds(no, _MAXN)], node_v, nsem)
    cp_e = pltpu.make_async_copy(edge_hbm.at[pl.ds(eo, _MAXE)], edge_v, esem)
    cp_g.start()
    cp_n.start()
    cp_e.start()

    j = lax.broadcasted_iota(jnp.int32, (_MAXE, 1), 0)
    emask = j < n3
    t = lax.broadcasted_iota(jnp.int32, (_MAXLEN, 1), 0)
    base = jnp.where(t < n, t, 0)
    zi = jnp.zeros((), jnp.int32)
    ps_ref[...] = base
    pd_ref[...] = base
    ps_ref[pl.ds(n, _MAXE), :] = jnp.where(emask, es_v[...], zi)
    pd_ref[pl.ds(n, _MAXE), :] = jnp.where(emask, ed_v[...], zi)

    cp_g.wait()
    gn = gn_v[...]
    p1 = jnp.dot(gn, a1_ref[...], preferred_element_type=jnp.float32,
                 precision=lax.Precision.HIGHEST)
    p2 = jnp.dot(gn, a2_ref[...], preferred_element_type=jnp.float32,
                 precision=lax.Precision.HIGHEST)
    pn = jnp.dot(gn, a12_ref[...], preferred_element_type=jnp.float32,
                 precision=lax.Precision.HIGHEST)
    p1h, p1l = _split_bf16(p1)
    p2h, p2l = _split_bf16(p2)
    rhs = jnp.concatenate(
        [jnp.concatenate([p1h, p1l], axis=1),
         jnp.concatenate([p2h, p2l], axis=1)], axis=0)

    cp_n.wait()
    outf_ref[...] = jnp.zeros((_MAXLEN, _D), jnp.float32)
    outf_ref[0:_MAXN, :] = node_v[...] + pn + ow1
    cp_e.wait()

    tab16 = lax.broadcasted_iota(jnp.int16, (1, _MAXN), 1)
    oneb = jnp.ones((), jnp.bfloat16)
    zerob = jnp.zeros((), jnp.bfloat16)
    for r in range(_MAXE // _RTILE):
        lo = r * _RTILE
        es_r = es_v[lo:lo + _RTILE, :]
        ed_r = ed_v[lo:lo + _RTILE, :]
        ohs = jnp.where(es_r.astype(jnp.int16) == tab16, oneb, zerob)
        ohd = jnp.where(ed_r.astype(jnp.int16) == tab16, oneb, zerob)
        oh = jnp.concatenate([ohs, ohd], axis=1)
        eqf = (es_r == ed_r).astype(jnp.float32)
        owe = ow0 + eqf * (ow1 - ow0)
        res = jnp.dot(oh, rhs, preferred_element_type=jnp.float32)
        acc = res[:, :_D] + res[:, _D:]
        ce = edge_v[lo:lo + _RTILE, :] + acc + owe
        jr = lax.broadcasted_iota(jnp.int32, (_RTILE, 1), 0) + lo
        ce = jnp.where(jr < n3, ce, 0.0)
        outf_ref[pl.ds(n + lo, _RTILE), :] = ce


def _tc_call(num, noff, eoff, node_data, edge_data, gn,
             es_col, ed_col, a1, a2, a12, ow):
    def per_graph(*blk):
        return pl.BlockSpec(blk, lambda g: (g,) + (0,) * (len(blk) - 1))

    def shared(*blk):
        return pl.BlockSpec(blk, lambda g: (0,) * len(blk))

    smem = pl.BlockSpec(memory_space=pltpu.SMEM)
    hbm = pl.BlockSpec(memory_space=pl.ANY)
    return pl.pallas_call(
        _tc_body,
        grid=(_B,),
        in_specs=[
            smem, smem, smem,
            hbm, hbm, hbm,
            per_graph(None, _MAXE, 1),
            per_graph(None, _MAXE, 1),
            shared(_D, _D),
            shared(_D, _D),
            shared(_D, _D),
            shared(2, _D),
        ],
        out_specs=[
            pl.BlockSpec((_MAXLEN, _D), lambda g: (0, g)),
            pl.BlockSpec((None, _MAXLEN, 1), lambda g: (g, 0, 0)),
            pl.BlockSpec((None, _MAXLEN, 1), lambda g: (g, 0, 0)),
        ],
        out_shape=[
            jax.ShapeDtypeStruct((_MAXLEN, _B * _D), jnp.float32),
            jax.ShapeDtypeStruct((_B, _MAXLEN, 1), jnp.int32),
            jax.ShapeDtypeStruct((_B, _MAXLEN, 1), jnp.int32),
        ],
        scratch_shapes=[
            pltpu.VMEM((_MAXN, _D), jnp.float32),
            pltpu.VMEM((_MAXE, _D), jnp.float32),
            pltpu.VMEM((_MAXN, _D), jnp.float32),
            pltpu.SemaphoreType.DMA,
            pltpu.SemaphoreType.DMA,
            pltpu.SemaphoreType.DMA,
        ],
        compiler_params=pltpu.CompilerParams(
            dimension_semantics=("arbitrary",)),
    )(num, noff, eoff, node_data, edge_data, gn,
      es_col, ed_col, a1, a2, a12, ow)


def _static_setup():
    node_num = np.asarray(_NODE_NUM, np.int32)
    noff = np.concatenate([[0], np.cumsum(node_num)]).astype(np.int64)
    eoff = 3 * noff
    tok = np.arange(_MAXLEN, dtype=np.int32)[None, :]
    nn = node_num[:, None]
    seq = 4 * nn
    padded_node_mask = tok < nn
    padded_edge_mask = (tok >= nn) & (tok < seq)
    padding_mask = tok >= seq
    return noff, eoff, padding_mask, padded_node_mask, padded_edge_mask


_NOFF, _EOFF, _PAD_MASK, _NODE_MASK, _EDGE_MASK = _static_setup()


def kernel(node_data, edge_data, edge_index, indices_subnodes,
           order_weight, orf_w, orf):
    orf_flat = orf.reshape(10 * 50000, _D)
    es_cols, ed_cols = [], []
    for g, n in enumerate(_NODE_NUM):
        e = 3 * n
        es_cols.append(jnp.pad(edge_index[0, _EOFF[g]:_EOFF[g] + e],
                               (0, _MAXE - e)))
        ed_cols.append(jnp.pad(edge_index[1, _EOFF[g]:_EOFF[g] + e],
                               (0, _MAXE - e)))
    es_col = jnp.stack(es_cols).astype(jnp.int32)[..., None]
    ed_col = jnp.stack(ed_cols).astype(jnp.int32)[..., None]

    gn = _sc_gather(indices_subnodes.astype(jnp.int32), orf_flat)

    a1 = orf_w[:, :_D].T
    a2 = orf_w[:, _D:].T
    a12 = a1 + a2
    num = jnp.asarray(np.asarray(_NODE_NUM, np.int32))
    noff = jnp.asarray(_NOFF[:_B].astype(np.int32))
    eoff = jnp.asarray(_EOFF[:_B].astype(np.int32))

    outf, ps, pd = _tc_call(num, noff, eoff,
                            node_data, edge_data, gn,
                            es_col, ed_col, a1, a2, a12,
                            order_weight)

    padded_feature = jnp.transpose(
        outf.reshape(_MAXLEN, _B, _D), (1, 0, 2))
    padded_index = jnp.stack([ps[..., 0], pd[..., 0]], axis=-1)
    return (padded_feature,
            jnp.asarray(_PAD_MASK),
            padded_index,
            jnp.asarray(_NODE_MASK),
            jnp.asarray(_EDGE_MASK))

# --- scband reference (transcript-rebuilt; emitter-appended) ---
"""Pipeline reference for scband-graph-feature-tokenizer-34926674051529 (READ-ONLY COPY).

The authoritative reference and input builder live on the scoring server;
editing this copy changes nothing except your own understanding.
"""

import jax, jax.numpy as jnp
import numpy as np

NODE_NUM = [1024, 768, 512, 1024, 896, 640, 1024, 1024]
EDGE_NUM = [3 * n for n in NODE_NUM]
D = 128
NUM_NODES = 50000


def setup_inputs(seed: int = 0) -> dict:
    key = jax.random.key(seed)
    ks = jax.random.split(key, 8)
    total_nodes = sum(NODE_NUM)
    total_edges = sum(EDGE_NUM)
    node_data = jax.random.normal(ks[0], (total_nodes, D), dtype=jnp.float32)
    edge_data = jax.random.normal(ks[1], (total_edges, D), dtype=jnp.float32)
    # edge_index holds LOCAL (per-graph) node ids, concatenated over graphs
    ei_list = []
    for i, (n, e) in enumerate(zip(NODE_NUM, EDGE_NUM)):
        ei_list.append(np.random.RandomState(i).randint(0, n, size=(2, e)))
    edge_index = jnp.asarray(np.concatenate(ei_list, axis=1), dtype=jnp.int32)
    # global node ids into the ORF table, one per (ragged) node, concatenated
    indices_subnodes = jax.random.randint(ks[2], (total_nodes,), 0, NUM_NODES, dtype=jnp.int32)
    # parameters
    order_weight = jax.random.normal(ks[3], (2, D), dtype=jnp.float32) * 0.02  # nn.Embedding(2, D)
    orf_w = jax.random.normal(ks[4], (D, 2 * D), dtype=jnp.float32) * 0.02     # nn.Linear(2D, D, bias=False)
    # orf buffer: normalized reduced-QR of randn(10, num_nodes, hidden_dim)
    q, _ = jnp.linalg.qr(jax.random.normal(ks[5], (10, NUM_NODES, D), dtype=jnp.float32))
    orf = q / jnp.clip(jnp.linalg.norm(q, axis=2, keepdims=True), 1e-12, None)
    return {
        'node_data': node_data,
        'edge_data': edge_data,
        'edge_index': edge_index,
        'indices_subnodes': indices_subnodes,
        'order_weight': order_weight,
        'orf_w': orf_w,
        'orf': orf,
    }


def reference(node_data, edge_data, edge_index, indices_subnodes, order_weight, orf_w, orf):
    b = len(NODE_NUM)
    d = node_data.shape[-1]
    node_num = np.asarray(NODE_NUM, dtype=np.int32)[:, None]
    edge_num = np.asarray(EDGE_NUM, dtype=np.int32)[:, None]
    seq_len = node_num + edge_num
    max_len = max(n + e for n, e in zip(NODE_NUM, EDGE_NUM)) + 1
    max_n = max(NODE_NUM)

    token_pos = np.arange(max_len, dtype=np.int32)[None, :]
    padded_node_mask = token_pos < node_num
    padded_edge_mask = (token_pos >= node_num) & (token_pos < seq_len)
    padding_mask = token_pos >= seq_len

    # row-major positions of true entries (matches torch boolean-mask assignment order)
    n_rows, n_cols = np.nonzero(padded_node_mask)
    e_rows, e_cols = np.nonzero(padded_edge_mask)

    # padded_index [b, T, 2]
    padded_index = jnp.zeros((b, max_len, 2), dtype=jnp.int32)
    node_pairs = jnp.stack([jnp.asarray(n_cols), jnp.asarray(n_cols)], axis=-1).astype(jnp.int32)  # local node id == column pos
    padded_index = padded_index.at[n_rows, n_cols].set(node_pairs)
    padded_index = padded_index.at[e_rows, e_cols].set(edge_index.T.astype(jnp.int32))

    # padded_feature [b, T, D]
    padded_feature = jnp.zeros((b, max_len, d), dtype=node_data.dtype)
    padded_feature = padded_feature.at[n_rows, n_cols].set(node_data)
    padded_feature = padded_feature.at[e_rows, e_cols].set(edge_data)

    # node_mask [b, max_n]
    node_mask = np.arange(max_n, dtype=np.int32)[None, :] < node_num
    nm_rows, nm_cols = np.nonzero(node_mask)

    # orf node ids (step = 0): gather rows from orf[0]
    orf_node_id = jnp.take(orf[0], indices_subnodes, axis=0)  # [sum(node_num), D]
    padded_node_id = jnp.zeros((b, max_n, d), dtype=orf_node_id.dtype)
    padded_node_id = padded_node_id.at[nm_rows, nm_cols].set(orf_node_id)

    # get_index_embed: gather src/dst node ids for every token
    batch_idx = jnp.arange(b)[:, None, None]
    index_embed = padded_node_id[batch_idx, padded_index]  # [b, T, 2, D]
    index_embed = index_embed.reshape(b, max_len, 2 * d)

    padded_feature = padded_feature + index_embed @ orf_w.T

    # type embed: node tokens have src==dst
    order = (padded_index[..., 0] == padded_index[..., 1]).astype(jnp.int32)
    padded_feature = padded_feature + jnp.take(order_weight, order, axis=0)

    padded_feature = jnp.where(jnp.asarray(padding_mask)[..., None], 0.0, padded_feature)
    return padded_feature, jnp.asarray(padding_mask), padded_index, jnp.asarray(padded_node_mask), jnp.asarray(padded_edge_mask)

if __name__ == "__main__":
    import jax
    _d = setup_inputs()
    print(jax.jit(kernel)(*tuple(_d.values())))

</pallas_src>

<mosaic_0001>
#map = affine_map<(d0, d1) -> (0)>
#map1 = affine_map<(d0, d1) -> (0, 0)>
module attributes {stable_mosaic.version = 14 : i64} {
  func.func @run(%arg0: i32, %arg1: i32, %arg2: memref<6912xi32, #tpu.memory_space<hbm>>, %arg3: memref<500000x128xf32, #tpu.memory_space<hbm>>, %arg4: memref<6912x128xf32, #tpu.memory_space<hbm>>, %arg5: memref<216xi32, #tpu.memory_space<vmem>>, %arg6: memref<3x72x128xf32, #tpu.memory_space<vmem>>, %arg7: memref<!tpu.dma_semaphore, #tpu.memory_space<semaphore_mem>>) attributes {dimension_semantics = [#tpu.dimension_semantics<core_parallel>, #tpu.dimension_semantics<subcore_parallel>], iteration_bounds = array<i64: 2, 16>, scalar_prefetch = 0 : i64, scratch_operands = 3 : i64, tpu.core_type = #tpu.core_type<sc_vector_subcore>, window_params = [{transform_indices = #map}, {transform_indices = #map1}, {transform_indices = #map1}]} {
    %mul3A = arith.constant 2 : i32
    %mul3A_0 = arith.muli %arg1, %mul3A : i32
    %add3A = arith.addi %mul3A_0, %arg0 : i32
    %mul3A_1 = arith.constant 216 : i32
    %mul3A_2 = arith.muli %add3A, %mul3A_1 : i32
    "tpu.region"() ({
      %run_scoped3A_69 = tpu.sem_alloc : memref<!tpu.dma_semaphore, #tpu.memory_space<semaphore_mem>>
      %dma_start3A_70 = tpu.memref_slice %arg2[%mul3A_2] : memref<6912xi32, #tpu.memory_space<hbm>> -> memref<216xi32, #tpu.memory_space<hbm>>
      %dma_start3A_71 = tpu.memref_slice %arg2[%mul3A_2] : memref<6912xi32, #tpu.memory_space<hbm>> -> memref<216xi32, #tpu.memory_space<hbm>>
      tpu.enqueue_dma source(%dma_start3A_71 : memref<216xi32, #tpu.memory_space<hbm>>) target(%arg5 : memref<216xi32, #tpu.memory_space<vmem>>) target_semaphore(%run_scoped3A_69 : memref<!tpu.dma_semaphore, #tpu.memory_space<semaphore_mem>>)
      %dma_wait3A_72 = tpu.memref_slice %arg2[%mul3A_2] : memref<6912xi32, #tpu.memory_space<hbm>> -> memref<216xi32, #tpu.memory_space<hbm>>
      %dma_wait3A_73 = tpu.memref_slice %arg2[%mul3A_2] : memref<6912xi32, #tpu.memory_space<hbm>> -> memref<216xi32, #tpu.memory_space<hbm>>
      tpu.wait_dma2 semaphore(%run_scoped3A_69 : memref<!tpu.dma_semaphore, #tpu.memory_space<semaphore_mem>>) src(%dma_wait3A_73 : memref<216xi32, #tpu.memory_space<hbm>>) dst(%arg5 : memref<216xi32, #tpu.memory_space<vmem>>)
      tpu.yield
    }) : () -> ()
    %dma_start3A = arith.constant 0 : i32
    %dma_start3A_3 = arith.constant 0 : i32
    %dma_start3A_4 = arith.constant 0 : i32
    %dma_start3A_5 = tpu.memref_slice %arg6[%dma_start3A, %dma_start3A_3, %dma_start3A_4] : memref<3x72x128xf32, #tpu.memory_space<vmem>> -> memref<1x72x128xf32, #tpu.memory_space<vmem>>
    %dma_start3A_6 = tpu.memref_squeeze %dma_start3A_5 : memref<1x72x128xf32, #tpu.memory_space<vmem>> -> memref<72x128xf32, #tpu.memory_space<vmem>>
    %dma_start3A_7 = arith.constant 0 : i32
    %dma_start3A_8 = tpu.memref_slice %arg5[%dma_start3A_7] : memref<216xi32, #tpu.memory_space<vmem>> -> memref<72xi32, #tpu.memory_space<vmem>>
    %dma_start3A_9 = arith.constant 0 : i32
    %dma_start3A_10 = arith.constant 0 : i32
    %dma_start3A_11 = tpu.memref_slice %arg3[%dma_start3A_9, %dma_start3A_10] : memref<500000x128xf32, #tpu.memory_space<hbm>> -> memref<500000x128xf32, #tpu.memory_space<hbm>>
    tpu.enqueue_indirect_dma source(%dma_start3A_11 : memref<500000x128xf32, #tpu.memory_space<hbm>>) target(%dma_start3A_6 : memref<72x128xf32, #tpu.memory_space<vmem>>) offsets(%dma_start3A_8 : memref<72xi32, #tpu.memory_space<vmem>>) semaphore(%arg7 : memref<!tpu.dma_semaphore, #tpu.memory_space<semaphore_mem>>)
    %dma_start3A_12 = arith.constant 1 : i32
    %dma_start3A_13 = arith.constant 0 : i32
    %dma_start3A_14 = arith.constant 0 : i32
    %dma_start3A_15 = tpu.memref_slice %arg6[%dma_start3A_12, %dma_start3A_13, %dma_start3A_14] : memref<3x72x128xf32, #tpu.memory_space<vmem>> -> memref<1x72x128xf32, #tpu.memory_space<vmem>>
    %dma_start3A_16 = tpu.memref_squeeze %dma_start3A_15 : memref<1x72x128xf32, #tpu.memory_space<vmem>> -> memref<72x128xf32, #tpu.memory_space<vmem>>
    %dma_start3A_17 = arith.constant 72 : i32
    %dma_start3A_18 = tpu.memref_slice %arg5[%dma_start3A_17] : memref<216xi32, #tpu.memory_space<vmem>> -> memref<72xi32, #tpu.memory_space<vmem>>
    %dma_start3A_19 = arith.constant 0 : i32
    %dma_start3A_20 = arith.constant 0 : i32
    %dma_start3A_21 = tpu.memref_slice %arg3[%dma_start3A_19, %dma_start3A_20] : memref<500000x128xf32, #tpu.memory_space<hbm>> -> memref<500000x128xf32, #tpu.memory_space<hbm>>
    tpu.enqueue_indirect_dma source(%dma_start3A_21 : memref<500000x128xf32, #tpu.memory_space<hbm>>) target(%dma_start3A_16 : memref<72x128xf32, #tpu.memory_space<vmem>>) offsets(%dma_start3A_18 : memref<72xi32, #tpu.memory_space<vmem>>) semaphore(%arg7 : memref<!tpu.dma_semaphore, #tpu.memory_space<semaphore_mem>>)
    %dma_start3A_22 = arith.constant 2 : i32
    %dma_start3A_23 = arith.constant 0 : i32
    %dma_start3A_24 = arith.constant 0 : i32
    %dma_start3A_25 = tpu.memref_slice %arg6[%dma_start3A_22, %dma_start3A_23, %dma_start3A_24] : memref<3x72x128xf32, #tpu.memory_space<vmem>> -> memref<1x72x128xf32, #tpu.memory_space<vmem>>
    %dma_start3A_26 = tpu.memref_squeeze %dma_start3A_25 : memref<1x72x128xf32, #tpu.memory_space<vmem>> -> memref<72x128xf32, #tpu.memory_space<vmem>>
    %dma_start3A_27 = arith.constant 144 : i32
    %dma_start3A_28 = tpu.memref_slice %arg5[%dma_start3A_27] : memref<216xi32, #tpu.memory_space<vmem>> -> memref<72xi32, #tpu.memory_space<vmem>>
    %dma_start3A_29 = arith.constant 0 : i32
    %dma_start3A_30 = arith.constant 0 : i32
    %dma_start3A_31 = tpu.memref_slice %arg3[%dma_start3A_29, %dma_start3A_30] : memref<500000x128xf32, #tpu.memory_space<hbm>> -> memref<500000x128xf32, #tpu.memory_space<hbm>>
    tpu.enqueue_indirect_dma source(%dma_start3A_31 : memref<500000x128xf32, #tpu.memory_space<hbm>>) target(%dma_start3A_26 : memref<72x128xf32, #tpu.memory_space<vmem>>) offsets(%dma_start3A_28 : memref<72xi32, #tpu.memory_space<vmem>>) semaphore(%arg7 : memref<!tpu.dma_semaphore, #tpu.memory_space<semaphore_mem>>)
    %dma_wait3A = arith.constant 0 : i32
    %dma_wait3A_32 = arith.constant 0 : i32
    %dma_wait3A_33 = arith.constant 0 : i32
    %dma_wait3A_34 = tpu.memref_slice %arg6[%dma_wait3A, %dma_wait3A_32, %dma_wait3A_33] : memref<3x72x128xf32, #tpu.memory_space<vmem>> -> memref<1x72x128xf32, #tpu.memory_space<vmem>>
    %dma_wait3A_35 = tpu.memref_squeeze %dma_wait3A_34 : memref<1x72x128xf32, #tpu.memory_space<vmem>> -> memref<72x128xf32, #tpu.memory_space<vmem>>
    %dma_wait3A_36 = arith.constant 0 : i32
    %dma_wait3A_37 = tpu.memref_slice %arg5[%dma_wait3A_36] : memref<216xi32, #tpu.memory_space<vmem>> -> memref<72xi32, #tpu.memory_space<vmem>>
    %dma_wait3A_38 = arith.constant 0 : i32
    %dma_wait3A_39 = arith.constant 0 : i32
    %dma_wait3A_40 = tpu.memref_slice %arg3[%dma_wait3A_38, %dma_wait3A_39] : memref<500000x128xf32, #tpu.memory_space<hbm>> -> memref<500000x128xf32, #tpu.memory_space<hbm>>
    tpu.wait_indirect_dma semaphore(%arg7 : memref<!tpu.dma_semaphore, #tpu.memory_space<semaphore_mem>>) src(%dma_wait3A_40 : memref<500000x128xf32, #tpu.memory_space<hbm>>) dst(%dma_wait3A_35 : memref<72x128xf32, #tpu.memory_space<vmem>>)
    %add3A_41 = arith.constant 0 : i32
    %add3A_42 = arith.addi %mul3A_2, %add3A_41 : i32
    %run_scoped3A = arith.constant 0 : i32
    "tpu.region"() ({
      %run_scoped3A_69 = tpu.sem_alloc : memref<!tpu.dma_semaphore, #tpu.memory_space<semaphore_mem>>
      %dma_start3A_70 = arith.constant 0 : i32
      %dma_start3A_71 = arith.constant 0 : i32
      %dma_start3A_72 = tpu.memref_slice %arg6[%run_scoped3A, %dma_start3A_70, %dma_start3A_71] : memref<3x72x128xf32, #tpu.memory_space<vmem>> -> memref<1x72x128xf32, #tpu.memory_space<vmem>>
      %dma_start3A_73 = tpu.memref_squeeze %dma_start3A_72 : memref<1x72x128xf32, #tpu.memory_space<vmem>> -> memref<72x128xf32, #tpu.memory_space<vmem>>
      %dma_start3A_74 = arith.constant 0 : i32
      %dma_start3A_75 = tpu.memref_slice %arg4[%add3A_42, %dma_start3A_74] : memref<6912x128xf32, #tpu.memory_space<hbm>> -> memref<72x128xf32, #tpu.memory_space<hbm>>
      %dma_start3A_76 = arith.constant 0 : i32
      %dma_start3A_77 = tpu.memref_slice %arg4[%add3A_42, %dma_start3A_76] : memref<6912x128xf32, #tpu.memory_space<hbm>> -> memref<72x128xf32, #tpu.memory_space<hbm>>
      %dma_start3A_78 = arith.constant 0 : i32
      %dma_start3A_79 = arith.constant 0 : i32
      %dma_start3A_80 = tpu.memref_slice %arg6[%run_scoped3A, %dma_start3A_78, %dma_start3A_79] : memref<3x72x128xf32, #tpu.memory_space<vmem>> -> memref<1x72x128xf32, #tpu.memory_space<vmem>>
      %dma_start3A_81 = tpu.memref_squeeze %dma_start3A_80 : memref<1x72x128xf32, #tpu.memory_space<vmem>> -> memref<72x128xf32, #tpu.memory_space<vmem>>
      tpu.enqueue_dma source(%dma_start3A_81 : memref<72x128xf32, #tpu.memory_space<vmem>>) target(%dma_start3A_77 : memref<72x128xf32, #tpu.memory_space<hbm>>) target_semaphore(%run_scoped3A_69 : memref<!tpu.dma_semaphore, #tpu.memory_space<semaphore_mem>>)
      %dma_wait3A_82 = arith.constant 0 : i32
      %dma_wait3A_83 = arith.constant 0 : i32
      %dma_wait3A_84 = tpu.memref_slice %arg6[%run_scoped3A, %dma_wait3A_82, %dma_wait3A_83] : memref<3x72x128xf32, #tpu.memory_space<vmem>> -> memref<1x72x128xf32, #tpu.memory_space<vmem>>
      %dma_wait3A_85 = tpu.memref_squeeze %dma_wait3A_84 : memref<1x72x128xf32, #tpu.memory_space<vmem>> -> memref<72x128xf32, #tpu.memory_space<vmem>>
      %dma_wait3A_86 = arith.constant 0 : i32
      %dma_wait3A_87 = tpu.memref_slice %arg4[%add3A_42, %dma_wait3A_86] : memref<6912x128xf32, #tpu.memory_space<hbm>> -> memref<72x128xf32, #tpu.memory_space<hbm>>
      %dma_wait3A_88 = arith.constant 0 : i32
      %dma_wait3A_89 = tpu.memref_slice %arg4[%add3A_42, %dma_wait3A_88] : memref<6912x128xf32, #tpu.memory_space<hbm>> -> memref<72x128xf32, #tpu.memory_space<hbm>>
      %dma_wait3A_90 = arith.constant 0 : i32
      %dma_wait3A_91 = arith.constant 0 : i32
      %dma_wait3A_92 = tpu.memref_slice %arg6[%run_scoped3A, %dma_wait3A_90, %dma_wait3A_91] : memref<3x72x128xf32, #tpu.memory_space<vmem>> -> memref<1x72x128xf32, #tpu.memory_space<vmem>>
      %dma_wait3A_93 = tpu.memref_squeeze %dma_wait3A_92 : memref<1x72x128xf32, #tpu.memory_space<vmem>> -> memref<72x128xf32, #tpu.memory_space<vmem>>
      tpu.wait_dma2 semaphore(%run_scoped3A_69 : memref<!tpu.dma_semaphore, #tpu.memory_space<semaphore_mem>>) src(%dma_wait3A_93 : memref<72x128xf32, #tpu.memory_space<vmem>>) dst(%dma_wait3A_89 : memref<72x128xf32, #tpu.memory_space<hbm>>)
      tpu.yield
    }) : () -> ()
    %dma_wait3A_43 = arith.constant 1 : i32
    %dma_wait3A_44 = arith.constant 0 : i32
    %dma_wait3A_45 = arith.constant 0 : i32
    %dma_wait3A_46 = tpu.memref_slice %arg6[%dma_wait3A_43, %dma_wait3A_44, %dma_wait3A_45] : memref<3x72x128xf32, #tpu.memory_space<vmem>> -> memref<1x72x128xf32, #tpu.memory_space<vmem>>
    %dma_wait3A_47 = tpu.memref_squeeze %dma_wait3A_46 : memref<1x72x128xf32, #tpu.memory_space<vmem>> -> memref<72x128xf32, #tpu.memory_space<vmem>>
    %dma_wait3A_48 = arith.constant 72 : i32
    %dma_wait3A_49 = tpu.memref_slice %arg5[%dma_wait3A_48] : memref<216xi32, #tpu.memory_space<vmem>> -> memref<72xi32, #tpu.memory_space<vmem>>
    %dma_wait3A_50 = arith.constant 0 : i32
    %dma_wait3A_51 = arith.constant 0 : i32
    %dma_wait3A_52 = tpu.memref_slice %arg3[%dma_wait3A_50, %dma_wait3A_51] : memref<500000x128xf32, #tpu.memory_space<hbm>> -> memref<500000x128xf32, #tpu.memory_space<hbm>>
    tpu.wait_indirect_dma semaphore(%arg7 : memref<!tpu.dma_semaphore, #tpu.memory_space<semaphore_mem>>) src(%dma_wait3A_52 : memref<500000x128xf32, #tpu.memory_space<hbm>>) dst(%dma_wait3A_47 : memref<72x128xf32, #tpu.memory_space<vmem>>)
    %add3A_53 = arith.constant 72 : i32
    %add3A_54 = arith.addi %mul3A_2, %add3A_53 : i32
    %run_scoped3A_55 = arith.constant 1 : i32
    "tpu.region"() ({
      %run_scoped3A_69 = tpu.sem_alloc : memref<!tpu.dma_semaphore, #tpu.memory_space<semaphore_mem>>
      %dma_start3A_70 = arith.constant 0 : i32
      %dma_start3A_71 = arith.constant 0 : i32
      %dma_start3A_72 = tpu.memref_slice %arg6[%run_scoped3A_55, %dma_start3A_70, %dma_start3A_71] : memref<3x72x128xf32, #tpu.memory_space<vmem>> -> memref<1x72x128xf32, #tpu.memory_space<vmem>>
      %dma_start3A_73 = tpu.memref_squeeze %dma_start3A_72 : memref<1x72x128xf32, #tpu.memory_space<vmem>> -> memref<72x128xf32, #tpu.memory_space<vmem>>
      %dma_start3A_74 = arith.constant 0 : i32
      %dma_start3A_75 = tpu.memref_slice %arg4[%add3A_54, %dma_start3A_74] : memref<6912x128xf32, #tpu.memory_space<hbm>> -> memref<72x128xf32, #tpu.memory_space<hbm>>
      %dma_start3A_76 = arith.constant 0 : i32
      %dma_start3A_77 = tpu.memref_slice %arg4[%add3A_54, %dma_start3A_76] : memref<6912x128xf32, #tpu.memory_space<hbm>> -> memref<72x128xf32, #tpu.memory_space<hbm>>
      %dma_start3A_78 = arith.constant 0 : i32
      %dma_start3A_79 = arith.constant 0 : i32
      %dma_start3A_80 = tpu.memref_slice %arg6[%run_scoped3A_55, %dma_start3A_78, %dma_start3A_79] : memref<3x72x128xf32, #tpu.memory_space<vmem>> -> memref<1x72x128xf32, #tpu.memory_space<vmem>>
      %dma_start3A_81 = tpu.memref_squeeze %dma_start3A_80 : memref<1x72x128xf32, #tpu.memory_space<vmem>> -> memref<72x128xf32, #tpu.memory_space<vmem>>
      tpu.enqueue_dma source(%dma_start3A_81 : memref<72x128xf32, #tpu.memory_space<vmem>>) target(%dma_start3A_77 : memref<72x128xf32, #tpu.memory_space<hbm>>) target_semaphore(%run_scoped3A_69 : memref<!tpu.dma_semaphore, #tpu.memory_space<semaphore_mem>>)
      %dma_wait3A_82 = arith.constant 0 : i32
      %dma_wait3A_83 = arith.constant 0 : i32
      %dma_wait3A_84 = tpu.memref_slice %arg6[%run_scoped3A_55, %dma_wait3A_82, %dma_wait3A_83] : memref<3x72x128xf32, #tpu.memory_space<vmem>> -> memref<1x72x128xf32, #tpu.memory_space<vmem>>
      %dma_wait3A_85 = tpu.memref_squeeze %dma_wait3A_84 : memref<1x72x128xf32, #tpu.memory_space<vmem>> -> memref<72x128xf32, #tpu.memory_space<vmem>>
      %dma_wait3A_86 = arith.constant 0 : i32
      %dma_wait3A_87 = tpu.memref_slice %arg4[%add3A_54, %dma_wait3A_86] : memref<6912x128xf32, #tpu.memory_space<hbm>> -> memref<72x128xf32, #tpu.memory_space<hbm>>
      %dma_wait3A_88 = arith.constant 0 : i32
      %dma_wait3A_89 = tpu.memref_slice %arg4[%add3A_54, %dma_wait3A_88] : memref<6912x128xf32, #tpu.memory_space<hbm>> -> memref<72x128xf32, #tpu.memory_space<hbm>>
      %dma_wait3A_90 = arith.constant 0 : i32
      %dma_wait3A_91 = arith.constant 0 : i32
      %dma_wait3A_92 = tpu.memref_slice %arg6[%run_scoped3A_55, %dma_wait3A_90, %dma_wait3A_91] : memref<3x72x128xf32, #tpu.memory_space<vmem>> -> memref<1x72x128xf32, #tpu.memory_space<vmem>>
      %dma_wait3A_93 = tpu.memref_squeeze %dma_wait3A_92 : memref<1x72x128xf32, #tpu.memory_space<vmem>> -> memref<72x128xf32, #tpu.memory_space<vmem>>
      tpu.wait_dma2 semaphore(%run_scoped3A_69 : memref<!tpu.dma_semaphore, #tpu.memory_space<semaphore_mem>>) src(%dma_wait3A_93 : memref<72x128xf32, #tpu.memory_space<vmem>>) dst(%dma_wait3A_89 : memref<72x128xf32, #tpu.memory_space<hbm>>)
      tpu.yield
    }) : () -> ()
    %dma_wait3A_56 = arith.constant 2 : i32
    %dma_wait3A_57 = arith.constant 0 : i32
    %dma_wait3A_58 = arith.constant 0 : i32
    %dma_wait3A_59 = tpu.memref_slice %arg6[%dma_wait3A_56, %dma_wait3A_57, %dma_wait3A_58] : memref<3x72x128xf32, #tpu.memory_space<vmem>> -> memref<1x72x128xf32, #tpu.memory_space<vmem>>
    %dma_wait3A_60 = tpu.memref_squeeze %dma_wait3A_59 : memref<1x72x128xf32, #tpu.memory_space<vmem>> -> memref<72x128xf32, #tpu.memory_space<vmem>>
    %dma_wait3A_61 = arith.constant 144 : i32
    %dma_wait3A_62 = tpu.memref_slice %arg5[%dma_wait3A_61] : memref<216xi32, #tpu.memory_space<vmem>> -> memref<72xi32, #tpu.memory_space<vmem>>
    %dma_wait3A_63 = arith.constant 0 : i32
    %dma_wait3A_64 = arith.constant 0 : i32
    %dma_wait3A_65 = tpu.memref_slice %arg3[%dma_wait3A_63, %dma_wait3A_64] : memref<500000x128xf32, #tpu.memory_space<hbm>> -> memref<500000x128xf32, #tpu.memory_space<hbm>>
    tpu.wait_indirect_dma semaphore(%arg7 : memref<!tpu.dma_semaphore, #tpu.memory_space<semaphore_mem>>) src(%dma_wait3A_65 : memref<500000x128xf32, #tpu.memory_space<hbm>>) dst(%dma_wait3A_60 : memref<72x128xf32, #tpu.memory_space<vmem>>)
    %add3A_66 = arith.constant 144 : i32
    %add3A_67 = arith.addi %mul3A_2, %add3A_66 : i32
    %run_scoped3A_68 = arith.constant 2 : i32
    "tpu.region"() ({
      %run_scoped3A_69 = tpu.sem_alloc : memref<!tpu.dma_semaphore, #tpu.memory_space<semaphore_mem>>
      %dma_start3A_70 = arith.constant 0 : i32
      %dma_start3A_71 = arith.constant 0 : i32
      %dma_start3A_72 = tpu.memref_slice %arg6[%run_scoped3A_68, %dma_start3A_70, %dma_start3A_71] : memref<3x72x128xf32, #tpu.memory_space<vmem>> -> memref<1x72x128xf32, #tpu.memory_space<vmem>>
      %dma_start3A_73 = tpu.memref_squeeze %dma_start3A_72 : memref<1x72x128xf32, #tpu.memory_space<vmem>> -> memref<72x128xf32, #tpu.memory_space<vmem>>
      %dma_start3A_74 = arith.constant 0 : i32
      %dma_start3A_75 = tpu.memref_slice %arg4[%add3A_67, %dma_start3A_74] : memref<6912x128xf32, #tpu.memory_space<hbm>> -> memref<72x128xf32, #tpu.memory_space<hbm>>
      %dma_start3A_76 = arith.constant 0 : i32
      %dma_start3A_77 = tpu.memref_slice %arg4[%add3A_67, %dma_start3A_76] : memref<6912x128xf32, #tpu.memory_space<hbm>> -> memref<72x128xf32, #tpu.memory_space<hbm>>
      %dma_start3A_78 = arith.constant 0 : i32
      %dma_start3A_79 = arith.constant 0 : i32
      %dma_start3A_80 = tpu.memref_slice %arg6[%run_scoped3A_68, %dma_start3A_78, %dma_start3A_79] : memref<3x72x128xf32, #tpu.memory_space<vmem>> -> memref<1x72x128xf32, #tpu.memory_space<vmem>>
      %dma_start3A_81 = tpu.memref_squeeze %dma_start3A_80 : memref<1x72x128xf32, #tpu.memory_space<vmem>> -> memref<72x128xf32, #tpu.memory_space<vmem>>
      tpu.enqueue_dma source(%dma_start3A_81 : memref<72x128xf32, #tpu.memory_space<vmem>>) target(%dma_start3A_77 : memref<72x128xf32, #tpu.memory_space<hbm>>) target_semaphore(%run_scoped3A_69 : memref<!tpu.dma_semaphore, #tpu.memory_space<semaphore_mem>>)
      %dma_wait3A_82 = arith.constant 0 : i32
      %dma_wait3A_83 = arith.constant 0 : i32
      %dma_wait3A_84 = tpu.memref_slice %arg6[%run_scoped3A_68, %dma_wait3A_82, %dma_wait3A_83] : memref<3x72x128xf32, #tpu.memory_space<vmem>> -> memref<1x72x128xf32, #tpu.memory_space<vmem>>
      %dma_wait3A_85 = tpu.memref_squeeze %dma_wait3A_84 : memref<1x72x128xf32, #tpu.memory_space<vmem>> -> memref<72x128xf32, #tpu.memory_space<vmem>>
      %dma_wait3A_86 = arith.constant 0 : i32
      %dma_wait3A_87 = tpu.memref_slice %arg4[%add3A_67, %dma_wait3A_86] : memref<6912x128xf32, #tpu.memory_space<hbm>> -> memref<72x128xf32, #tpu.memory_space<hbm>>
      %dma_wait3A_88 = arith.constant 0 : i32
      %dma_wait3A_89 = tpu.memref_slice %arg4[%add3A_67, %dma_wait3A_88] : memref<6912x128xf32, #tpu.memory_space<hbm>> -> memref<72x128xf32, #tpu.memory_space<hbm>>
      %dma_wait3A_90 = arith.constant 0 : i32
      %dma_wait3A_91 = arith.constant 0 : i32
      %dma_wait3A_92 = tpu.memref_slice %arg6[%run_scoped3A_68, %dma_wait3A_90, %dma_wait3A_91] : memref<3x72x128xf32, #tpu.memory_space<vmem>> -> memref<1x72x128xf32, #tpu.memory_space<vmem>>
      %dma_wait3A_93 = tpu.memref_squeeze %dma_wait3A_92 : memref<1x72x128xf32, #tpu.memory_space<vmem>> -> memref<72x128xf32, #tpu.memory_space<vmem>>
      tpu.wait_dma2 semaphore(%run_scoped3A_69 : memref<!tpu.dma_semaphore, #tpu.memory_space<semaphore_mem>>) src(%dma_wait3A_93 : memref<72x128xf32, #tpu.memory_space<vmem>>) dst(%dma_wait3A_89 : memref<72x128xf32, #tpu.memory_space<hbm>>)
      tpu.yield
    }) : () -> ()
    return
  }
}

module attributes {stable_mosaic.version = 14 : i64} {
  func.func @_tc_body(%arg0: i32, %arg1: memref<8xi32, #tpu.memory_space<smem>>, %arg2: memref<8xi32, #tpu.memory_space<smem>>, %arg3: memref<8xi32, #tpu.memory_space<smem>>, %arg4: memref<6912x128xf32, #tpu.memory_space<any>>, %arg5: memref<20736x128xf32, #tpu.memory_space<any>>, %arg6: memref<6912x128xf32, #tpu.memory_space<any>>, %arg7: memref<1x3072x1xi32, #tpu.memory_space<vmem>>, %arg8: memref<1x3072x1xi32, #tpu.memory_space<vmem>>, %arg9: memref<128x128xf32, #tpu.memory_space<vmem>>, %arg10: memref<128x128xf32, #tpu.memory_space<vmem>>, %arg11: memref<128x128xf32, #tpu.memory_space<vmem>>, %arg12: memref<2x128xf32, #tpu.memory_space<vmem>>, %arg13: memref<4097x128xf32, #tpu.memory_space<vmem>>, %arg14: memref<1x4097x1xi32, #tpu.memory_space<vmem>>, %arg15: memref<1x4097x1xi32, #tpu.memory_space<vmem>>, %arg16: memref<1024x128xf32, #tpu.memory_space<vmem>>, %arg17: memref<3072x128xf32, #tpu.memory_space<vmem>>, %arg18: memref<1024x128xf32, #tpu.memory_space<vmem>>, %arg19: memref<!tpu.dma_semaphore, #tpu.memory_space<semaphore_mem>>, %arg20: memref<!tpu.dma_semaphore, #tpu.memory_space<semaphore_mem>>, %arg21: memref<!tpu.dma_semaphore, #tpu.memory_space<semaphore_mem>>) attributes {dimension_semantics = [#tpu.dimension_semantics<arbitrary>], iteration_bounds = array<i64: 8>, scalar_prefetch = 0 : i64, scratch_operands = 6 : i64, tpu.core_type = #tpu.core_type<tc>, window_params = [{transform_indices = @transform_0, window_bounds = array<i64: 8>}, {transform_indices = @transform_1, window_bounds = array<i64: 8>}, {transform_indices = @transform_2, window_bounds = array<i64: 8>}, {}, {}, {}, {transform_indices = @transform_6, window_bounds = array<i64: 1, 3072, 1>}, {transform_indices = @transform_7, window_bounds = array<i64: 1, 3072, 1>}, {pipeline_mode = #tpu.pipeline_mode<synchronous>, transform_indices = @transform_8, window_bounds = array<i64: 128, 128>}, {pipeline_mode = #tpu.pipeline_mode<synchronous>, transform_indices = @transform_9, window_bounds = array<i64: 128, 128>}, {pipeline_mode = #tpu.pipeline_mode<synchronous>, transform_indices = @transform_10, window_bounds = array<i64: 128, 128>}, {pipeline_mode = #tpu.pipeline_mode<synchronous>, transform_indices = @transform_11, window_bounds = array<i64: 2, 128>}, {transform_indices = @transform_12, window_bounds = array<i64: 4097, 128>}, {transform_indices = @transform_13, window_bounds = array<i64: 1, 4097, 1>}, {transform_indices = @transform_14, window_bounds = array<i64: 1, 4097, 1>}]} {
    %get3A = arith.index_cast %arg0 : i32 to index
    %get3A_0 = memref.load %arg1[%get3A] : memref<8xi32, #tpu.memory_space<smem>>
    %get3A_1 = arith.index_cast %arg0 : i32 to index
    %get3A_2 = memref.load %arg2[%get3A_1] : memref<8xi32, #tpu.memory_space<smem>>
    %get3A_3 = arith.index_cast %arg0 : i32 to index
    %get3A_4 = memref.load %arg3[%get3A_3] : memref<8xi32, #tpu.memory_space<smem>>
    %mul3A = arith.constant 3 : i32
    %mul3A_5 = arith.muli %get3A_0, %mul3A : i32
    %get3A_6 = arith.constant 0 : index
    %get3A_7 = arith.constant 0 : index
    %get3A_8 = vector.load %arg12[%get3A_6, %get3A_7] : memref<2x128xf32, #tpu.memory_space<vmem>>, vector<1x128xf32>
    %get3A_9 = arith.constant 1 : index
    %get3A_10 = arith.constant 0 : index
    %get3A_11 = vector.load %arg12[%get3A_9, %get3A_10] : memref<2x128xf32, #tpu.memory_space<vmem>>, vector<1x128xf32>
    %dma_start3A = arith.constant 0 : i32
    %dma_start3A_12 = tpu.memref_slice %arg6[%get3A_2, %dma_start3A] : memref<6912x128xf32, #tpu.memory_space<any>> -> memref<1024x128xf32, #tpu.memory_space<any>>
    tpu.enqueue_dma source(%dma_start3A_12 : memref<1024x128xf32, #tpu.memory_space<any>>) target(%arg18 : memref<1024x128xf32, #tpu.memory_space<vmem>>) target_semaphore(%arg21 : memref<!tpu.dma_semaphore, #tpu.memory_space<semaphore_mem>>)
    %dma_start3A_13 = arith.constant 0 : i32
    %dma_start3A_14 = tpu.memref_slice %arg4[%get3A_2, %dma_start3A_13] : memref<6912x128xf32, #tpu.memory_space<any>> -> memref<1024x128xf32, #tpu.memory_space<any>>
    tpu.enqueue_dma source(%dma_start3A_14 : memref<1024x128xf32, #tpu.memory_space<any>>) target(%arg16 : memref<1024x128xf32, #tpu.memory_space<vmem>>) target_semaphore(%arg19 : memref<!tpu.dma_semaphore, #tpu.memory_space<semaphore_mem>>)
    %dma_start3A_15 = arith.constant 0 : i32
    %dma_start3A_16 = tpu.memref_slice %arg5[%get3A_4, %dma_start3A_15] : memref<20736x128xf32, #tpu.memory_space<any>> -> memref<3072x128xf32, #tpu.memory_space<any>>
    tpu.enqueue_dma source(%dma_start3A_16 : memref<3072x128xf32, #tpu.memory_space<any>>) target(%arg17 : memref<3072x128xf32, #tpu.memory_space<vmem>>) target_semaphore(%arg20 : memref<!tpu.dma_semaphore, #tpu.memory_space<semaphore_mem>>)
    %iota3A = tpu.iota {dimensions = array<i32: 0>} : vector<3072x1xi32>
    %lt3A = vector.broadcast %mul3A_5 : i32 to vector<3072x1xi32>
    %lt3A_17 = arith.cmpi slt, %iota3A, %lt3A : vector<3072x1xi32>
    %iota3A_18 = tpu.iota {dimensions = array<i32: 0>} : vector<4097x1xi32>
    %lt3A_19 = vector.broadcast %get3A_0 : i32 to vector<4097x1xi32>
    %lt3A_20 = arith.cmpi slt, %iota3A_18, %lt3A_19 : vector<4097x1xi32>
    %jit3A = arith.constant 0 : i32
    %broadcast_in_dim3A = vector.broadcast %jit3A : i32 to vector<4097x1xi32>
    %select_n3A = arith.select %lt3A_20, %iota3A_18, %broadcast_in_dim3A : vector<4097x1xi1>, vector<4097x1xi32>
    %swap3A = arith.constant 0 : index
    %swap3A_21 = arith.constant 0 : index
    %swap3A_22 = arith.constant 0 : index
    %swap3A_23 = vector.load %arg14[%swap3A, %swap3A_21, %swap3A_22] : memref<1x4097x1xi32, #tpu.memory_space<vmem>>, vector<1x4097x1xi32>
    %swap3A_24 = vector.shape_cast %swap3A_23 : vector<1x4097x1xi32> to vector<4097x1xi32>
    %swap3A_25 = vector.shape_cast %select_n3A : vector<4097x1xi32> to vector<1x4097x1xi32>
    tpu.vector_store %arg14[%swap3A, %swap3A_21, %swap3A_22], %swap3A_25 {strides = array<i32>} : memref<1x4097x1xi32, #tpu.memory_space<vmem>>, vector<1x4097x1xi32>,
    %swap3A_26 = arith.constant 0 : index
    %swap3A_27 = arith.constant 0 : index
    %swap3A_28 = arith.constant 0 : index
    %swap3A_29 = vector.load %arg15[%swap3A_26, %swap3A_27, %swap3A_28] : memref<1x4097x1xi32, #tpu.memory_space<vmem>>, vector<1x4097x1xi32>
    %swap3A_30 = vector.shape_cast %swap3A_29 : vector<1x4097x1xi32> to vector<4097x1xi32>
    %swap3A_31 = vector.shape_cast %select_n3A : vector<4097x1xi32> to vector<1x4097x1xi32>
    tpu.vector_store %arg15[%swap3A_26, %swap3A_27, %swap3A_28], %swap3A_31 {strides = array<i32>} : memref<1x4097x1xi32, #tpu.memory_space<vmem>>, vector<1x4097x1xi32>,
    %get3A_32 = arith.constant 0 : index
    %get3A_33 = arith.constant 0 : index
    %get3A_34 = arith.constant 0 : index
    %get3A_35 = vector.load %arg7[%get3A_32, %get3A_33, %get3A_34] : memref<1x3072x1xi32, #tpu.memory_space<vmem>>, vector<1x3072x1xi32>
    %get3A_36 = vector.shape_cast %get3A_35 : vector<1x3072x1xi32> to vector<3072x1xi32>
    %jit3A_37 = arith.constant 0 : i32
    %broadcast_in_dim3A_38 = vector.broadcast %jit3A_37 : i32 to vector<3072x1xi32>
    %select_n3A_39 = arith.select %lt3A_17, %get3A_36, %broadcast_in_dim3A_38 : vector<3072x1xi1>, vector<3072x1xi32>
    %swap3A_40 = arith.constant 0 : index
    %swap3A_41 = arith.index_cast %get3A_0 : i32 to index
    %swap3A_42 = arith.constant 0 : index
    %swap3A_43 = vector.load %arg14[%swap3A_40, %swap3A_41, %swap3A_42] : memref<1x4097x1xi32, #tpu.memory_space<vmem>>, vector<1x3072x1xi32>
    %swap3A_44 = vector.shape_cast %swap3A_43 : vector<1x3072x1xi32> to vector<3072x1xi32>
    %swap3A_45 = vector.shape_cast %select_n3A_39 : vector<3072x1xi32> to vector<1x3072x1xi32>
    tpu.vector_store %arg14[%swap3A_40, %swap3A_41, %swap3A_42], %swap3A_45 {strides = array<i32>} : memref<1x4097x1xi32, #tpu.memory_space<vmem>>, vector<1x3072x1xi32>,
    %get3A_46 = arith.constant 0 : index
    %get3A_47 = arith.constant 0 : index
    %get3A_48 = arith.constant 0 : index
    %get3A_49 = vector.load %arg8[%get3A_46, %get3A_47, %get3A_48] : memref<1x3072x1xi32, #tpu.memory_space<vmem>>, vector<1x3072x1xi32>
    %get3A_50 = vector.shape_cast %get3A_49 : vector<1x3072x1xi32> to vector<3072x1xi32>
    %jit3A_51 = arith.constant 0 : i32
    %broadcast_in_dim3A_52 = vector.broadcast %jit3A_51 : i32 to vector<3072x1xi32>
    %select_n3A_53 = arith.select %lt3A_17, %get3A_50, %broadcast_in_dim3A_52 : vector<3072x1xi1>, vector<3072x1xi32>
    %swap3A_54 = arith.constant 0 : index
    %swap3A_55 = arith.index_cast %get3A_0 : i32 to index
    %swap3A_56 = arith.constant 0 : index
    %swap3A_57 = vector.load %arg15[%swap3A_54, %swap3A_55, %swap3A_56] : memref<1x4097x1xi32, #tpu.memory_space<vmem>>, vector<1x3072x1xi32>
    %swap3A_58 = vector.shape_cast %swap3A_57 : vector<1x3072x1xi32> to vector<3072x1xi32>
    %swap3A_59 = vector.shape_cast %select_n3A_53 : vector<3072x1xi32> to vector<1x3072x1xi32>
    tpu.vector_store %arg15[%swap3A_54, %swap3A_55, %swap3A_56], %swap3A_59 {strides = array<i32>} : memref<1x4097x1xi32, #tpu.memory_space<vmem>>, vector<1x3072x1xi32>,
    %dma_wait3A = arith.constant 0 : i32
    %dma_wait3A_60 = tpu.memref_slice %arg6[%get3A_2, %dma_wait3A] : memref<6912x128xf32, #tpu.memory_space<any>> -> memref<1024x128xf32, #tpu.memory_space<any>>
    tpu.wait_dma2 semaphore(%arg21 : memref<!tpu.dma_semaphore, #tpu.memory_space<semaphore_mem>>) src(%dma_wait3A_60 : memref<1024x128xf32, #tpu.memory_space<any>>) dst(%arg18 : memref<1024x128xf32, #tpu.memory_space<vmem>>)
    %get3A_61 = arith.constant 0 : index
    %get3A_62 = arith.constant 0 : index
    %get3A_63 = vector.load %arg18[%get3A_61, %get3A_62] : memref<1024x128xf32, #tpu.memory_space<vmem>>, vector<1024x128xf32>
    %get3A_64 = arith.constant 0 : index
    %get3A_65 = arith.constant 0 : index
    %get3A_66 = vector.load %arg9[%get3A_64, %get3A_65] : memref<128x128xf32, #tpu.memory_space<vmem>>, vector<128x128xf32>
    %dot_general3A = arith.constant dense<0.000000e+00> : vector<1024x128xf32>
    %dot_general3A_67 = tpu.matmul %get3A_63, %get3A_66, %dot_general3A {dimension_numbers = #tpu.dot_dimension_numbers<[1], [0], [0], [1], [0, 0, 1, 1], [], []>, precision = #tpu.contract_precision<fp32>, transpose_lhs_hint = false} : vector<1024x128xf32>, vector<128x128xf32>, vector<1024x128xf32> -> vector<1024x128xf32>
    %get3A_68 = arith.constant 0 : index
    %get3A_69 = arith.constant 0 : index
    %get3A_70 = vector.load %arg10[%get3A_68, %get3A_69] : memref<128x128xf32, #tpu.memory_space<vmem>>, vector<128x128xf32>
    %dot_general3A_71 = arith.constant dense<0.000000e+00> : vector<1024x128xf32>
    %dot_general3A_72 = tpu.matmul %get3A_63, %get3A_70, %dot_general3A_71 {dimension_numbers = #tpu.dot_dimension_numbers<[1], [0], [0], [1], [0, 0, 1, 1], [], []>, precision = #tpu.contract_precision<fp32>, transpose_lhs_hint = false} : vector<1024x128xf32>, vector<128x128xf32>, vector<1024x128xf32> -> vector<1024x128xf32>
    %get3A_73 = arith.constant 0 : index
    %get3A_74 = arith.constant 0 : index
    %get3A_75 = vector.load %arg11[%get3A_73, %get3A_74] : memref<128x128xf32, #tpu.memory_space<vmem>>, vector<128x128xf32>
    %dot_general3A_76 = arith.constant dense<0.000000e+00> : vector<1024x128xf32>
    %dot_general3A_77 = tpu.matmul %get3A_63, %get3A_75, %dot_general3A_76 {dimension_numbers = #tpu.dot_dimension_numbers<[1], [0], [0], [1], [0, 0, 1, 1], [], []>, precision = #tpu.contract_precision<fp32>, transpose_lhs_hint = false} : vector<1024x128xf32>, vector<128x128xf32>, vector<1024x128xf32> -> vector<1024x128xf32>
    %convert_element_type3A = arith.truncf %dot_general3A_67 : vector<1024x128xf32> to vector<1024x128xbf16>
    %convert_element_type3A_78 = arith.extf %convert_element_type3A : vector<1024x128xbf16> to vector<1024x128xf32>
    %sub3A = arith.subf %dot_general3A_67, %convert_element_type3A_78 : vector<1024x128xf32>
    %convert_element_type3A_79 = arith.truncf %sub3A : vector<1024x128xf32> to vector<1024x128xbf16>
    %convert_element_type3A_80 = arith.truncf %dot_general3A_72 : vector<1024x128xf32> to vector<1024x128xbf16>
    %convert_element_type3A_81 = arith.extf %convert_element_type3A_80 : vector<1024x128xbf16> to vector<1024x128xf32>
    %sub3A_82 = arith.subf %dot_general3A_72, %convert_element_type3A_81 : vector<1024x128xf32>
    %convert_element_type3A_83 = arith.truncf %sub3A_82 : vector<1024x128xf32> to vector<1024x128xbf16>
    %concatenate3A = tpu.concatenate %convert_element_type3A, %convert_element_type3A_79 in 1 : vector<1024x128xbf16>, vector<1024x128xbf16> -> vector<1024x256xbf16>
    %concatenate3A_84 = tpu.concatenate %convert_element_type3A_80, %convert_element_type3A_83 in 1 : vector<1024x128xbf16>, vector<1024x128xbf16> -> vector<1024x256xbf16>
    %concatenate3A_85 = tpu.concatenate %concatenate3A, %concatenate3A_84 in 0 : vector<1024x256xbf16>, vector<1024x256xbf16> -> vector<2048x256xbf16>
    %dma_wait3A_86 = arith.constant 0 : i32
    %dma_wait3A_87 = tpu.memref_slice %arg4[%get3A_2, %dma_wait3A_86] : memref<6912x128xf32, #tpu.memory_space<any>> -> memref<1024x128xf32, #tpu.memory_space<any>>
    tpu.wait_dma2 semaphore(%arg19 : memref<!tpu.dma_semaphore, #tpu.memory_space<semaphore_mem>>) src(%dma_wait3A_87 : memref<1024x128xf32, #tpu.memory_space<any>>) dst(%arg16 : memref<1024x128xf32, #tpu.memory_space<vmem>>)
    %broadcast_in_dim3A_88 = arith.constant 0.000000e+00 : f32
    %broadcast_in_dim3A_89 = vector.broadcast %broadcast_in_dim3A_88 : f32 to vector<4097x128xf32>
    %swap3A_90 = arith.constant 0 : index
    %swap3A_91 = arith.constant 0 : index
    %swap3A_92 = vector.load %arg13[%swap3A_90, %swap3A_91] : memref<4097x128xf32, #tpu.memory_space<vmem>>, vector<4097x128xf32>
    tpu.vector_store %arg13[%swap3A_90, %swap3A_91], %broadcast_in_dim3A_89 {strides = array<i32>} : memref<4097x128xf32, #tpu.memory_space<vmem>>, vector<4097x128xf32>,
    %get3A_93 = arith.constant 0 : index
    %get3A_94 = arith.constant 0 : index
    %get3A_95 = vector.load %arg16[%get3A_93, %get3A_94] : memref<1024x128xf32, #tpu.memory_space<vmem>>, vector<1024x128xf32>
    %add3A = arith.addf %get3A_95, %dot_general3A_77 : vector<1024x128xf32>
    %add3A_96 = vector.broadcast %get3A_11 : vector<1x128xf32> to vector<1024x128xf32>
    %add3A_97 = arith.addf %add3A, %add3A_96 : vector<1024x128xf32>
    %swap3A_98 = arith.constant 0 : index
    %swap3A_99 = arith.constant 0 : index
    %swap3A_100 = vector.load %arg13[%swap3A_98, %swap3A_99] : memref<4097x128xf32, #tpu.memory_space<vmem>>, vector<1024x128xf32>
    tpu.vector_store %arg13[%swap3A_98, %swap3A_99], %add3A_97 {strides = array<i32>} : memref<4097x128xf32, #tpu.memory_space<vmem>>, vector<1024x128xf32>,
    %dma_wait3A_101 = arith.constant 0 : i32
    %dma_wait3A_102 = tpu.memref_slice %arg5[%get3A_4, %dma_wait3A_101] : memref<20736x128xf32, #tpu.memory_space<any>> -> memref<3072x128xf32, #tpu.memory_space<any>>
    tpu.wait_dma2 semaphore(%arg20 : memref<!tpu.dma_semaphore, #tpu.memory_space<semaphore_mem>>) src(%dma_wait3A_102 : memref<3072x128xf32, #tpu.memory_space<any>>) dst(%arg17 : memref<3072x128xf32, #tpu.memory_space<vmem>>)
    %iota3A_103 = tpu.iota {dimensions = array<i32: 1>} : vector<1x1024xi16>
    %get3A_104 = arith.constant 0 : index
    %get3A_105 = arith.constant 0 : index
    %get3A_106 = arith.constant 0 : index
    %get3A_107 = vector.load %arg7[%get3A_104, %get3A_105, %get3A_106] : memref<1x3072x1xi32, #tpu.memory_space<vmem>>, vector<1x512x1xi32>
    %get3A_108 = vector.shape_cast %get3A_107 : vector<1x512x1xi32> to vector<512x1xi32>
    %get3A_109 = arith.constant 0 : index
    %get3A_110 = arith.constant 0 : index
    %get3A_111 = arith.constant 0 : index
    %get3A_112 = vector.load %arg8[%get3A_109, %get3A_110, %get3A_111] : memref<1x3072x1xi32, #tpu.memory_space<vmem>>, vector<1x512x1xi32>
    %get3A_113 = vector.shape_cast %get3A_112 : vector<1x512x1xi32> to vector<512x1xi32>
    %convert_element_type3A_114 = arith.trunci %get3A_108 : vector<512x1xi32> to vector<512x1xi16>
    %eq3A = vector.broadcast %convert_element_type3A_114 : vector<512x1xi16> to vector<512x1024xi16>
    %eq3A_115 = vector.broadcast %iota3A_103 : vector<1x1024xi16> to vector<512x1024xi16>
    %eq3A_116 = arith.cmpi eq, %eq3A, %eq3A_115 : vector<512x1024xi16>
    %jit3A_117 = arith.constant 1.000000e+00 : bf16
    %jit3A_118 = arith.constant 0.000000e+00 : bf16
    %broadcast_in_dim3A_119 = vector.broadcast %jit3A_117 : bf16 to vector<512x1024xbf16>
    %broadcast_in_dim3A_120 = vector.broadcast %jit3A_118 : bf16 to vector<512x1024xbf16>
    %select_n3A_121 = arith.select %eq3A_116, %broadcast_in_dim3A_119, %broadcast_in_dim3A_120 : vector<512x1024xi1>, vector<512x1024xbf16>
    %convert_element_type3A_122 = arith.trunci %get3A_113 : vector<512x1xi32> to vector<512x1xi16>
    %eq3A_123 = vector.broadcast %convert_element_type3A_122 : vector<512x1xi16> to vector<512x1024xi16>
    %eq3A_124 = vector.broadcast %iota3A_103 : vector<1x1024xi16> to vector<512x1024xi16>
    %eq3A_125 = arith.cmpi eq, %eq3A_123, %eq3A_124 : vector<512x1024xi16>
    %jit3A_126 = arith.constant 1.000000e+00 : bf16
    %jit3A_127 = arith.constant 0.000000e+00 : bf16
    %broadcast_in_dim3A_128 = vector.broadcast %jit3A_126 : bf16 to vector<512x1024xbf16>
    %broadcast_in_dim3A_129 = vector.broadcast %jit3A_127 : bf16 to vector<512x1024xbf16>
    %select_n3A_130 = arith.select %eq3A_125, %broadcast_in_dim3A_128, %broadcast_in_dim3A_129 : vector<512x1024xi1>, vector<512x1024xbf16>
    %concatenate3A_131 = tpu.concatenate %select_n3A_121, %select_n3A_130 in 1 : vector<512x1024xbf16>, vector<512x1024xbf16> -> vector<512x2048xbf16>
    %eq3A_132 = arith.cmpi eq, %get3A_108, %get3A_113 : vector<512x1xi32>
    %convert_element_type3A_133 = arith.extui %eq3A_132 : vector<512x1xi1> to vector<512x1xi32>
    %convert_element_type3A_134 = arith.sitofp %convert_element_type3A_133 : vector<512x1xi32> to vector<512x1xf32>
    %sub3A_135 = arith.subf %get3A_11, %get3A_8 : vector<1x128xf32>
    %mul3A_136 = vector.broadcast %convert_element_type3A_134 : vector<512x1xf32> to vector<512x128xf32>
    %mul3A_137 = vector.broadcast %sub3A_135 : vector<1x128xf32> to vector<512x128xf32>
    %mul3A_138 = arith.mulf %mul3A_136, %mul3A_137 : vector<512x128xf32>
    %add3A_139 = vector.broadcast %get3A_8 : vector<1x128xf32> to vector<512x128xf32>
    %add3A_140 = arith.addf %add3A_139, %mul3A_138 : vector<512x128xf32>
    %dot_general3A_141 = arith.constant dense<0.000000e+00> : vector<512x256xf32>
    %dot_general3A_142 = tpu.matmul %concatenate3A_131, %concatenate3A_85, %dot_general3A_141 {dimension_numbers = #tpu.dot_dimension_numbers<[1], [0], [0], [1], [0, 0, 1, 1], [], []>, transpose_lhs_hint = false} : vector<512x2048xbf16>, vector<2048x256xbf16>, vector<512x256xf32> -> vector<512x256xf32>
    %slice3A = vector.extract_strided_slice %dot_general3A_142 {offsets = [0, 0], sizes = [512, 128], strides = [1, 1]} : vector<512x256xf32> to vector<512x128xf32>
    %slice3A_143 = vector.extract_strided_slice %dot_general3A_142 {offsets = [0, 128], sizes = [512, 128], strides = [1, 1]} : vector<512x256xf32> to vector<512x128xf32>
    %add3A_144 = arith.addf %slice3A, %slice3A_143 : vector<512x128xf32>
    %get3A_145 = arith.constant 0 : index
    %get3A_146 = arith.constant 0 : index
    %get3A_147 = vector.load %arg17[%get3A_145, %get3A_146] : memref<3072x128xf32, #tpu.memory_space<vmem>>, vector<512x128xf32>
    %add3A_148 = arith.addf %get3A_147, %add3A_144 : vector<512x128xf32>
    %add3A_149 = arith.addf %add3A_148, %add3A_140 : vector<512x128xf32>
    %iota3A_150 = tpu.iota {dimensions = array<i32: 0>} : vector<512x1xi32>
    %add3A_151 = arith.constant 0 : i32
    %add3A_152 = vector.broadcast %add3A_151 : i32 to vector<512x1xi32>
    %add3A_153 = arith.addi %iota3A_150, %add3A_152 : vector<512x1xi32>
    %lt3A_154 = vector.broadcast %mul3A_5 : i32 to vector<512x1xi32>
    %lt3A_155 = arith.cmpi slt, %add3A_153, %lt3A_154 : vector<512x1xi32>
    %jit3A_156 = arith.constant 0.000000e+00 : f32
    %broadcast_in_dim3A_157 = vector.shape_cast %lt3A_155 : vector<512x1xi1> to vector<512x1xi1>
    %broadcast_in_dim3A_158 = vector.broadcast %broadcast_in_dim3A_157 : vector<512x1xi1> to vector<512x128xi1>
    %broadcast_in_dim3A_159 = vector.broadcast %jit3A_156 : f32 to vector<512x128xf32>
    %select_n3A_160 = arith.select %broadcast_in_dim3A_158, %add3A_149, %broadcast_in_dim3A_159 : vector<512x128xi1>, vector<512x128xf32>
    %add3A_161 = arith.constant 0 : i32
    %add3A_162 = arith.addi %get3A_0, %add3A_161 : i32
    %swap3A_163 = arith.index_cast %add3A_162 : i32 to index
    %swap3A_164 = arith.constant 0 : index
    %swap3A_165 = vector.load %arg13[%swap3A_163, %swap3A_164] : memref<4097x128xf32, #tpu.memory_space<vmem>>, vector<512x128xf32>
    tpu.vector_store %arg13[%swap3A_163, %swap3A_164], %select_n3A_160 {strides = array<i32>} : memref<4097x128xf32, #tpu.memory_space<vmem>>, vector<512x128xf32>,
    %get3A_166 = arith.constant 0 : index
    %get3A_167 = arith.constant 512 : index
    %get3A_168 = arith.constant 0 : index
    %get3A_169 = vector.load %arg7[%get3A_166, %get3A_167, %get3A_168] : memref<1x3072x1xi32, #tpu.memory_space<vmem>>, vector<1x512x1xi32>
    %get3A_170 = vector.shape_cast %get3A_169 : vector<1x512x1xi32> to vector<512x1xi32>
    %get3A_171 = arith.constant 0 : index
    %get3A_172 = arith.constant 512 : index
    %get3A_173 = arith.constant 0 : index
    %get3A_174 = vector.load %arg8[%get3A_171, %get3A_172, %get3A_173] : memref<1x3072x1xi32, #tpu.memory_space<vmem>>, vector<1x512x1xi32>
    %get3A_175 = vector.shape_cast %get3A_174 : vector<1x512x1xi32> to vector<512x1xi32>
    %convert_element_type3A_176 = arith.trunci %get3A_170 : vector<512x1xi32> to vector<512x1xi16>
    %eq3A_177 = vector.broadcast %convert_element_type3A_176 : vector<512x1xi16> to vector<512x1024xi16>
    %eq3A_178 = vector.broadcast %iota3A_103 : vector<1x1024xi16> to vector<512x1024xi16>
    %eq3A_179 = arith.cmpi eq, %eq3A_177, %eq3A_178 : vector<512x1024xi16>
    %jit3A_180 = arith.constant 1.000000e+00 : bf16
    %jit3A_181 = arith.constant 0.000000e+00 : bf16
    %broadcast_in_dim3A_182 = vector.broadcast %jit3A_180 : bf16 to vector<512x1024xbf16>
    %broadcast_in_dim3A_183 = vector.broadcast %jit3A_181 : bf16 to vector<512x1024xbf16>
    %select_n3A_184 = arith.select %eq3A_179, %broadcast_in_dim3A_182, %broadcast_in_dim3A_183 : vector<512x1024xi1>, vector<512x1024xbf16>
    %convert_element_type3A_185 = arith.trunci %get3A_175 : vector<512x1xi32> to vector<512x1xi16>
    %eq3A_186 = vector.broadcast %convert_element_type3A_185 : vector<512x1xi16> to vector<512x1024xi16>
    %eq3A_187 = vector.broadcast %iota3A_103 : vector<1x1024xi16> to vector<512x1024xi16>
    %eq3A_188 = arith.cmpi eq, %eq3A_186, %eq3A_187 : vector<512x1024xi16>
    %jit3A_189 = arith.constant 1.000000e+00 : bf16
    %jit3A_190 = arith.constant 0.000000e+00 : bf16
    %broadcast_in_dim3A_191 = vector.broadcast %jit3A_189 : bf16 to vector<512x1024xbf16>
    %broadcast_in_dim3A_192 = vector.broadcast %jit3A_190 : bf16 to vector<512x1024xbf16>
    %select_n3A_193 = arith.select %eq3A_188, %broadcast_in_dim3A_191, %broadcast_in_dim3A_192 : vector<512x1024xi1>, vector<512x1024xbf16>
    %concatenate3A_194 = tpu.concatenate %select_n3A_184, %select_n3A_193 in 1 : vector<512x1024xbf16>, vector<512x1024xbf16> -> vector<512x2048xbf16>
    %eq3A_195 = arith.cmpi eq, %get3A_170, %get3A_175 : vector<512x1xi32>
    %convert_element_type3A_196 = arith.extui %eq3A_195 : vector<512x1xi1> to vector<512x1xi32>
    %convert_element_type3A_197 = arith.sitofp %convert_element_type3A_196 : vector<512x1xi32> to vector<512x1xf32>
    %sub3A_198 = arith.subf %get3A_11, %get3A_8 : vector<1x128xf32>
    %mul3A_199 = vector.broadcast %convert_element_type3A_197 : vector<512x1xf32> to vector<512x128xf32>
    %mul3A_200 = vector.broadcast %sub3A_198 : vector<1x128xf32> to vector<512x128xf32>
    %mul3A_201 = arith.mulf %mul3A_199, %mul3A_200 : vector<512x128xf32>
    %add3A_202 = vector.broadcast %get3A_8 : vector<1x128xf32> to vector<512x128xf32>
    %add3A_203 = arith.addf %add3A_202, %mul3A_201 : vector<512x128xf32>
    %dot_general3A_204 = arith.constant dense<0.000000e+00> : vector<512x256xf32>
    %dot_general3A_205 = tpu.matmul %concatenate3A_194, %concatenate3A_85, %dot_general3A_204 {dimension_numbers = #tpu.dot_dimension_numbers<[1], [0], [0], [1], [0, 0, 1, 1], [], []>, transpose_lhs_hint = false} : vector<512x2048xbf16>, vector<2048x256xbf16>, vector<512x256xf32> -> vector<512x256xf32>
    %slice3A_206 = vector.extract_strided_slice %dot_general3A_205 {offsets = [0, 0], sizes = [512, 128], strides = [1, 1]} : vector<512x256xf32> to vector<512x128xf32>
    %slice3A_207 = vector.extract_strided_slice %dot_general3A_205 {offsets = [0, 128], sizes = [512, 128], strides = [1, 1]} : vector<512x256xf32> to vector<512x128xf32>
    %add3A_208 = arith.addf %slice3A_206, %slice3A_207 : vector<512x128xf32>
    %get3A_209 = arith.constant 512 : index
    %get3A_210 = arith.constant 0 : index
    %get3A_211 = vector.load %arg17[%get3A_209, %get3A_210] : memref<3072x128xf32, #tpu.memory_space<vmem>>, vector<512x128xf32>
    %add3A_212 = arith.addf %get3A_211, %add3A_208 : vector<512x128xf32>
    %add3A_213 = arith.addf %add3A_212, %add3A_203 : vector<512x128xf32>
    %iota3A_214 = tpu.iota {dimensions = array<i32: 0>} : vector<512x1xi32>
    %add3A_215 = arith.constant 512 : i32
    %add3A_216 = vector.broadcast %add3A_215 : i32 to vector<512x1xi32>
    %add3A_217 = arith.addi %iota3A_214, %add3A_216 : vector<512x1xi32>
    %lt3A_218 = vector.broadcast %mul3A_5 : i32 to vector<512x1xi32>
    %lt3A_219 = arith.cmpi slt, %add3A_217, %lt3A_218 : vector<512x1xi32>
    %jit3A_220 = arith.constant 0.000000e+00 : f32
    %broadcast_in_dim3A_221 = vector.shape_cast %lt3A_219 : vector<512x1xi1> to vector<512x1xi1>
    %broadcast_in_dim3A_222 = vector.broadcast %broadcast_in_dim3A_221 : vector<512x1xi1> to vector<512x128xi1>
    %broadcast_in_dim3A_223 = vector.broadcast %jit3A_220 : f32 to vector<512x128xf32>
    %select_n3A_224 = arith.select %broadcast_in_dim3A_222, %add3A_213, %broadcast_in_dim3A_223 : vector<512x128xi1>, vector<512x128xf32>
    %add3A_225 = arith.constant 512 : i32
    %add3A_226 = arith.addi %get3A_0, %add3A_225 : i32
    %swap3A_227 = arith.index_cast %add3A_226 : i32 to index
    %swap3A_228 = arith.constant 0 : index
    %swap3A_229 = vector.load %arg13[%swap3A_227, %swap3A_228] : memref<4097x128xf32, #tpu.memory_space<vmem>>, vector<512x128xf32>
    tpu.vector_store %arg13[%swap3A_227, %swap3A_228], %select_n3A_224 {strides = array<i32>} : memref<4097x128xf32, #tpu.memory_space<vmem>>, vector<512x128xf32>,
    %get3A_230 = arith.constant 0 : index
    %get3A_231 = arith.constant 1024 : index
    %get3A_232 = arith.constant 0 : index
    %get3A_233 = vector.load %arg7[%get3A_230, %get3A_231, %get3A_232] : memref<1x3072x1xi32, #tpu.memory_space<vmem>>, vector<1x512x1xi32>
    %get3A_234 = vector.shape_cast %get3A_233 : vector<1x512x1xi32> to vector<512x1xi32>
    %get3A_235 = arith.constant 0 : index
    %get3A_236 = arith.constant 1024 : index
    %get3A_237 = arith.constant 0 : index
    %get3A_238 = vector.load %arg8[%get3A_235, %get3A_236, %get3A_237] : memref<1x3072x1xi32, #tpu.memory_space<vmem>>, vector<1x512x1xi32>
    %get3A_239 = vector.shape_cast %get3A_238 : vector<1x512x1xi32> to vector<512x1xi32>
    %convert_element_type3A_240 = arith.trunci %get3A_234 : vector<512x1xi32> to vector<512x1xi16>
    %eq3A_241 = vector.broadcast %convert_element_type3A_240 : vector<512x1xi16> to vector<512x1024xi16>
    %eq3A_242 = vector.broadcast %iota3A_103 : vector<1x1024xi16> to vector<512x1024xi16>
    %eq3A_243 = arith.cmpi eq, %eq3A_241, %eq3A_242 : vector<512x1024xi16>
    %jit3A_244 = arith.constant 1.000000e+00 : bf16
    %jit3A_245 = arith.constant 0.000000e+00 : bf16
    %broadcast_in_dim3A_246 = vector.broadcast %jit3A_244 : bf16 to vector<512x1024xbf16>
    %broadcast_in_dim3A_247 = vector.broadcast %jit3A_245 : bf16 to vector<512x1024xbf16>
    %select_n3A_248 = arith.select %eq3A_243, %broadcast_in_dim3A_246, %broadcast_in_dim3A_247 : vector<512x1024xi1>, vector<512x1024xbf16>
    %convert_element_type3A_249 = arith.trunci %get3A_239 : vector<512x1xi32> to vector<512x1xi16>
    %eq3A_250 = vector.broadcast %convert_element_type3A_249 : vector<512x1xi16> to vector<512x1024xi16>
    %eq3A_251 = vector.broadcast %iota3A_103 : vector<1x1024xi16> to vector<512x1024xi16>
    %eq3A_252 = arith.cmpi eq, %eq3A_250, %eq3A_251 : vector<512x1024xi16>
    %jit3A_253 = arith.constant 1.000000e+00 : bf16
    %jit3A_254 = arith.constant 0.000000e+00 : bf16
    %broadcast_in_dim3A_255 = vector.broadcast %jit3A_253 : bf16 to vector<512x1024xbf16>
    %broadcast_in_dim3A_256 = vector.broadcast %jit3A_254 : bf16 to vector<512x1024xbf16>
    %select_n3A_257 = arith.select %eq3A_252, %broadcast_in_dim3A_255, %broadcast_in_dim3A_256 : vector<512x1024xi1>, vector<512x1024xbf16>
    %concatenate3A_258 = tpu.concatenate %select_n3A_248, %select_n3A_257 in 1 : vector<512x1024xbf16>, vector<512x1024xbf16> -> vector<512x2048xbf16>
    %eq3A_259 = arith.cmpi eq, %get3A_234, %get3A_239 : vector<512x1xi32>
    %convert_element_type3A_260 = arith.extui %eq3A_259 : vector<512x1xi1> to vector<512x1xi32>
    %convert_element_type3A_261 = arith.sitofp %convert_element_type3A_260 : vector<512x1xi32> to vector<512x1xf32>
    %sub3A_262 = arith.subf %get3A_11, %get3A_8 : vector<1x128xf32>
    %mul3A_263 = vector.broadcast %convert_element_type3A_261 : vector<512x1xf32> to vector<512x128xf32>
    %mul3A_264 = vector.broadcast %sub3A_262 : vector<1x128xf32> to vector<512x128xf32>
    %mul3A_265 = arith.mulf %mul3A_263, %mul3A_264 : vector<512x128xf32>
    %add3A_266 = vector.broadcast %get3A_8 : vector<1x128xf32> to vector<512x128xf32>
    %add3A_267 = arith.addf %add3A_266, %mul3A_265 : vector<512x128xf32>
    %dot_general3A_268 = arith.constant dense<0.000000e+00> : vector<512x256xf32>
    %dot_general3A_269 = tpu.matmul %concatenate3A_258, %concatenate3A_85, %dot_general3A_268 {dimension_numbers = #tpu.dot_dimension_numbers<[1], [0], [0], [1], [0, 0, 1, 1], [], []>, transpose_lhs_hint = false} : vector<512x2048xbf16>, vector<2048x256xbf16>, vector<512x256xf32> -> vector<512x256xf32>
    %slice3A_270 = vector.extract_strided_slice %dot_general3A_269 {offsets = [0, 0], sizes = [512, 128], strides = [1, 1]} : vector<512x256xf32> to vector<512x128xf32>
    %slice3A_271 = vector.extract_strided_slice %dot_general3A_269 {offsets = [0, 128], sizes = [512, 128], strides = [1, 1]} : vector<512x256xf32> to vector<512x128xf32>
    %add3A_272 = arith.addf %slice3A_270, %slice3A_271 : vector<512x128xf32>
    %get3A_273 = arith.constant 1024 : index
    %get3A_274 = arith.constant 0 : index
    %get3A_275 = vector.load %arg17[%get3A_273, %get3A_274] : memref<3072x128xf32, #tpu.memory_space<vmem>>, vector<512x128xf32>
    %add3A_276 = arith.addf %get3A_275, %add3A_272 : vector<512x128xf32>
    %add3A_277 = arith.addf %add3A_276, %add3A_267 : vector<512x128xf32>
    %iota3A_278 = tpu.iota {dimensions = array<i32: 0>} : vector<512x1xi32>
    %add3A_279 = arith.constant 1024 : i32
    %add3A_280 = vector.broadcast %add3A_279 : i32 to vector<512x1xi32>
    %add3A_281 = arith.addi %iota3A_278, %add3A_280 : vector<512x1xi32>
    %lt3A_282 = vector.broadcast %mul3A_5 : i32 to vector<512x1xi32>
    %lt3A_283 = arith.cmpi slt, %add3A_281, %lt3A_282 : vector<512x1xi32>
    %jit3A_284 = arith.constant 0.000000e+00 : f32
    %broadcast_in_dim3A_285 = vector.shape_cast %lt3A_283 : vector<512x1xi1> to vector<512x1xi1>
    %broadcast_in_dim3A_286 = vector.broadcast %broadcast_in_dim3A_285 : vector<512x1xi1> to vector<512x128xi1>
    %broadcast_in_dim3A_287 = vector.broadcast %jit3A_284 : f32 to vector<512x128xf32>
    %select_n3A_288 = arith.select %broadcast_in_dim3A_286, %add3A_277, %broadcast_in_dim3A_287 : vector<512x128xi1>, vector<512x128xf32>
    %add3A_289 = arith.constant 1024 : i32
    %add3A_290 = arith.addi %get3A_0, %add3A_289 : i32
    %swap3A_291 = arith.index_cast %add3A_290 : i32 to index
    %swap3A_292 = arith.constant 0 : index
    %swap3A_293 = vector.load %arg13[%swap3A_291, %swap3A_292] : memref<4097x128xf32, #tpu.memory_space<vmem>>, vector<512x128xf32>
    tpu.vector_store %arg13[%swap3A_291, %swap3A_292], %select_n3A_288 {strides = array<i32>} : memref<4097x128xf32, #tpu.memory_space<vmem>>, vector<512x128xf32>,
    %get3A_294 = arith.constant 0 : index
    %get3A_295 = arith.constant 1536 : index
    %get3A_296 = arith.constant 0 : index
    %get3A_297 = vector.load %arg7[%get3A_294, %get3A_295, %get3A_296] : memref<1x3072x1xi32, #tpu.memory_space<vmem>>, vector<1x512x1xi32>
    %get3A_298 = vector.shape_cast %get3A_297 : vector<1x512x1xi32> to vector<512x1xi32>
    %get3A_299 = arith.constant 0 : index
    %get3A_300 = arith.constant 1536 : index
    %get3A_301 = arith.constant 0 : index
    %get3A_302 = vector.load %arg8[%get3A_299, %get3A_300, %get3A_301] : memref<1x3072x1xi32, #tpu.memory_space<vmem>>, vector<1x512x1xi32>
    %get3A_303 = vector.shape_cast %get3A_302 : vector<1x512x1xi32> to vector<512x1xi32>
    %convert_element_type3A_304 = arith.trunci %get3A_298 : vector<512x1xi32> to vector<512x1xi16>
    %eq3A_305 = vector.broadcast %convert_element_type3A_304 : vector<512x1xi16> to vector<512x1024xi16>
    %eq3A_306 = vector.broadcast %iota3A_103 : vector<1x1024xi16> to vector<512x1024xi16>
    %eq3A_307 = arith.cmpi eq, %eq3A_305, %eq3A_306 : vector<512x1024xi16>
    %jit3A_308 = arith.constant 1.000000e+00 : bf16
    %jit3A_309 = arith.constant 0.000000e+00 : bf16
    %broadcast_in_dim3A_310 = vector.broadcast %jit3A_308 : bf16 to vector<512x1024xbf16>
    %broadcast_in_dim3A_311 = vector.broadcast %jit3A_309 : bf16 to vector<512x1024xbf16>
    %select_n3A_312 = arith.select %eq3A_307, %broadcast_in_dim3A_310, %broadcast_in_dim3A_311 : vector<512x1024xi1>, vector<512x1024xbf16>
    %convert_element_type3A_313 = arith.trunci %get3A_303 : vector<512x1xi32> to vector<512x1xi16>
    %eq3A_314 = vector.broadcast %convert_element_type3A_313 : vector<512x1xi16> to vector<512x1024xi16>
    %eq3A_315 = vector.broadcast %iota3A_103 : vector<1x1024xi16> to vector<512x1024xi16>
    %eq3A_316 = arith.cmpi eq, %eq3A_314, %eq3A_315 : vector<512x1024xi16>
    %jit3A_317 = arith.constant 1.000000e+00 : bf16
    %jit3A_318 = arith.constant 0.000000e+00 : bf16
    %broadcast_in_dim3A_319 = vector.broadcast %jit3A_317 : bf16 to vector<512x1024xbf16>
    %broadcast_in_dim3A_320 = vector.broadcast %jit3A_318 : bf16 to vector<512x1024xbf16>
    %select_n3A_321 = arith.select %eq3A_316, %broadcast_in_dim3A_319, %broadcast_in_dim3A_320 : vector<512x1024xi1>, vector<512x1024xbf16>
    %concatenate3A_322 = tpu.concatenate %select_n3A_312, %select_n3A_321 in 1 : vector<512x1024xbf16>, vector<512x1024xbf16> -> vector<512x2048xbf16>
    %eq3A_323 = arith.cmpi eq, %get3A_298, %get3A_303 : vector<512x1xi32>
    %convert_element_type3A_324 = arith.extui %eq3A_323 : vector<512x1xi1> to vector<512x1xi32>
    %convert_element_type3A_325 = arith.sitofp %convert_element_type3A_324 : vector<512x1xi32> to vector<512x1xf32>
    %sub3A_326 = arith.subf %get3A_11, %get3A_8 : vector<1x128xf32>
    %mul3A_327 = vector.broadcast %convert_element_type3A_325 : vector<512x1xf32> to vector<512x128xf32>
    %mul3A_328 = vector.broadcast %sub3A_326 : vector<1x128xf32> to vector<512x128xf32>
    %mul3A_329 = arith.mulf %mul3A_327, %mul3A_328 : vector<512x128xf32>
    %add3A_330 = vector.broadcast %get3A_8 : vector<1x128xf32> to vector<512x128xf32>
    %add3A_331 = arith.addf %add3A_330, %mul3A_329 : vector<512x128xf32>
    %dot_general3A_332 = arith.constant dense<0.000000e+00> : vector<512x256xf32>
    %dot_general3A_333 = tpu.matmul %concatenate3A_322, %concatenate3A_85, %dot_general3A_332 {dimension_numbers = #tpu.dot_dimension_numbers<[1], [0], [0], [1], [0, 0, 1, 1], [], []>, transpose_lhs_hint = false} : vector<512x2048xbf16>, vector<2048x256xbf16>, vector<512x256xf32> -> vector<512x256xf32>
    %slice3A_334 = vector.extract_strided_slice %dot_general3A_333 {offsets = [0, 0], sizes = [512, 128], strides = [1, 1]} : vector<512x256xf32> to vector<512x128xf32>
    %slice3A_335 = vector.extract_strided_slice %dot_general3A_333 {offsets = [0, 128], sizes = [512, 128], strides = [1, 1]} : vector<512x256xf32> to vector<512x128xf32>
    %add3A_336 = arith.addf %slice3A_334, %slice3A_335 : vector<512x128xf32>
    %get3A_337 = arith.constant 1536 : index
    %get3A_338 = arith.constant 0 : index
    %get3A_339 = vector.load %arg17[%get3A_337, %get3A_338] : memref<3072x128xf32, #tpu.memory_space<vmem>>, vector<512x128xf32>
    %add3A_340 = arith.addf %get3A_339, %add3A_336 : vector<512x128xf32>
    %add3A_341 = arith.addf %add3A_340, %add3A_331 : vector<512x128xf32>
    %iota3A_342 = tpu.iota {dimensions = array<i32: 0>} : vector<512x1xi32>
    %add3A_343 = arith.constant 1536 : i32
    %add3A_344 = vector.broadcast %add3A_343 : i32 to vector<512x1xi32>
    %add3A_345 = arith.addi %iota3A_342, %add3A_344 : vector<512x1xi32>
    %lt3A_346 = vector.broadcast %mul3A_5 : i32 to vector<512x1xi32>
    %lt3A_347 = arith.cmpi slt, %add3A_345, %lt3A_346 : vector<512x1xi32>
    %jit3A_348 = arith.constant 0.000000e+00 : f32
    %broadcast_in_dim3A_349 = vector.shape_cast %lt3A_347 : vector<512x1xi1> to vector<512x1xi1>
    %broadcast_in_dim3A_350 = vector.broadcast %broadcast_in_dim3A_349 : vector<512x1xi1> to vector<512x128xi1>
    %broadcast_in_dim3A_351 = vector.broadcast %jit3A_348 : f32 to vector<512x128xf32>
    %select_n3A_352 = arith.select %broadcast_in_dim3A_350, %add3A_341, %broadcast_in_dim3A_351 : vector<512x128xi1>, vector<512x128xf32>
    %add3A_353 = arith.constant 1536 : i32
    %add3A_354 = arith.addi %get3A_0, %add3A_353 : i32
    %swap3A_355 = arith.index_cast %add3A_354 : i32 to index
    %swap3A_356 = arith.constant 0 : index
    %swap3A_357 = vector.load %arg13[%swap3A_355, %swap3A_356] : memref<4097x128xf32, #tpu.memory_space<vmem>>, vector<512x128xf32>
    tpu.vector_store %arg13[%swap3A_355, %swap3A_356], %select_n3A_352 {strides = array<i32>} : memref<4097x128xf32, #tpu.memory_space<vmem>>, vector<512x128xf32>,
    %get3A_358 = arith.constant 0 : index
    %get3A_359 = arith.constant 2048 : index
    %get3A_360 = arith.constant 0 : index
    %get3A_361 = vector.load %arg7[%get3A_358, %get3A_359, %get3A_360] : memref<1x3072x1xi32, #tpu.memory_space<vmem>>, vector<1x512x1xi32>
    %get3A_362 = vector.shape_cast %get3A_361 : vector<1x512x1xi32> to vector<512x1xi32>
    %get3A_363 = arith.constant 0 : index
    %get3A_364 = arith.constant 2048 : index
    %get3A_365 = arith.constant 0 : index
    %get3A_366 = vector.load %arg8[%get3A_363, %get3A_364, %get3A_365] : memref<1x3072x1xi32, #tpu.memory_space<vmem>>, vector<1x512x1xi32>
    %get3A_367 = vector.shape_cast %get3A_366 : vector<1x512x1xi32> to vector<512x1xi32>
    %convert_element_type3A_368 = arith.trunci %get3A_362 : vector<512x1xi32> to vector<512x1xi16>
    %eq3A_369 = vector.broadcast %convert_element_type3A_368 : vector<512x1xi16> to vector<512x1024xi16>
    %eq3A_370 = vector.broadcast %iota3A_103 : vector<1x1024xi16> to vector<512x1024xi16>
    %eq3A_371 = arith.cmpi eq, %eq3A_369, %eq3A_370 : vector<512x1024xi16>
    %jit3A_372 = arith.constant 1.000000e+00 : bf16
    %jit3A_373 = arith.constant 0.000000e+00 : bf16
    %broadcast_in_dim3A_374 = vector.broadcast %jit3A_372 : bf16 to vector<512x1024xbf16>
    %broadcast_in_dim3A_375 = vector.broadcast %jit3A_373 : bf16 to vector<512x1024xbf16>
    %select_n3A_376 = arith.select %eq3A_371, %broadcast_in_dim3A_374, %broadcast_in_dim3A_375 : vector<512x1024xi1>, vector<512x1024xbf16>
    %convert_element_type3A_377 = arith.trunci %get3A_367 : vector<512x1xi32> to vector<512x1xi16>
    %eq3A_378 = vector.broadcast %convert_element_type3A_377 : vector<512x1xi16> to vector<512x1024xi16>
    %eq3A_379 = vector.broadcast %iota3A_103 : vector<1x1024xi16> to vector<512x1024xi16>
    %eq3A_380 = arith.cmpi eq, %eq3A_378, %eq3A_379 : vector<512x1024xi16>
    %jit3A_381 = arith.constant 1.000000e+00 : bf16
    %jit3A_382 = arith.constant 0.000000e+00 : bf16
    %broadcast_in_dim3A_383 = vector.broadcast %jit3A_381 : bf16 to vector<512x1024xbf16>
    %broadcast_in_dim3A_384 = vector.broadcast %jit3A_382 : bf16 to vector<512x1024xbf16>
    %select_n3A_385 = arith.select %eq3A_380, %broadcast_in_dim3A_383, %broadcast_in_dim3A_384 : vector<512x1024xi1>, vector<512x1024xbf16>
    %concatenate3A_386 = tpu.concatenate %select_n3A_376, %select_n3A_385 in 1 : vector<512x1024xbf16>, vector<512x1024xbf16> -> vector<512x2048xbf16>
    %eq3A_387 = arith.cmpi eq, %get3A_362, %get3A_367 : vector<512x1xi32>
    %convert_element_type3A_388 = arith.extui %eq3A_387 : vector<512x1xi1> to vector<512x1xi32>
    %convert_element_type3A_389 = arith.sitofp %convert_element_type3A_388 : vector<512x1xi32> to vector<512x1xf32>
    %sub3A_390 = arith.subf %get3A_11, %get3A_8 : vector<1x128xf32>
    %mul3A_391 = vector.broadcast %convert_element_type3A_389 : vector<512x1xf32> to vector<512x128xf32>
    %mul3A_392 = vector.broadcast %sub3A_390 : vector<1x128xf32> to vector<512x128xf32>
    %mul3A_393 = arith.mulf %mul3A_391, %mul3A_392 : vector<512x128xf32>
    %add3A_394 = vector.broadcast %get3A_8 : vector<1x128xf32> to vector<512x128xf32>
    %add3A_395 = arith.addf %add3A_394, %mul3A_393 : vector<512x128xf32>
    %dot_general3A_396 = arith.constant dense<0.000000e+00> : vector<512x256xf32>
    %dot_general3A_397 = tpu.matmul %concatenate3A_386, %concatenate3A_85, %dot_general3A_396 {dimension_numbers = #tpu.dot_dimension_numbers<[1], [0], [0], [1], [0, 0, 1, 1], [], []>, transpose_lhs_hint = false} : vector<512x2048xbf16>, vector<2048x256xbf16>, vector<512x256xf32> -> vector<512x256xf32>
    %slice3A_398 = vector.extract_strided_slice %dot_general3A_397 {offsets = [0, 0], sizes = [512, 128], strides = [1, 1]} : vector<512x256xf32> to vector<512x128xf32>
    %slice3A_399 = vector.extract_strided_slice %dot_general3A_397 {offsets = [0, 128], sizes = [512, 128], strides = [1, 1]} : vector<512x256xf32> to vector<512x128xf32>
    %add3A_400 = arith.addf %slice3A_398, %slice3A_399 : vector<512x128xf32>
    %get3A_401 = arith.constant 2048 : index
    %get3A_402 = arith.constant 0 : index
    %get3A_403 = vector.load %arg17[%get3A_401, %get3A_402] : memref<3072x128xf32, #tpu.memory_space<vmem>>, vector<512x128xf32>
    %add3A_404 = arith.addf %get3A_403, %add3A_400 : vector<512x128xf32>
    %add3A_405 = arith.addf %add3A_404, %add3A_395 : vector<512x128xf32>
    %iota3A_406 = tpu.iota {dimensions = array<i32: 0>} : vector<512x1xi32>
    %add3A_407 = arith.constant 2048 : i32
    %add3A_408 = vector.broadcast %add3A_407 : i32 to vector<512x1xi32>
    %add3A_409 = arith.addi %iota3A_406, %add3A_408 : vector<512x1xi32>
    %lt3A_410 = vector.broadcast %mul3A_5 : i32 to vector<512x1xi32>
    %lt3A_411 = arith.cmpi slt, %add3A_409, %lt3A_410 : vector<512x1xi32>
    %jit3A_412 = arith.constant 0.000000e+00 : f32
    %broadcast_in_dim3A_413 = vector.shape_cast %lt3A_411 : vector<512x1xi1> to vector<512x1xi1>
    %broadcast_in_dim3A_414 = vector.broadcast %broadcast_in_dim3A_413 : vector<512x1xi1> to vector<512x128xi1>
    %broadcast_in_dim3A_415 = vector.broadcast %jit3A_412 : f32 to vector<512x128xf32>
    %select_n3A_416 = arith.select %broadcast_in_dim3A_414, %add3A_405, %broadcast_in_dim3A_415 : vector<512x128xi1>, vector<512x128xf32>
    %add3A_417 = arith.constant 2048 : i32
    %add3A_418 = arith.addi %get3A_0, %add3A_417 : i32
    %swap3A_419 = arith.index_cast %add3A_418 : i32 to index
    %swap3A_420 = arith.constant 0 : index
    %swap3A_421 = vector.load %arg13[%swap3A_419, %swap3A_420] : memref<4097x128xf32, #tpu.memory_space<vmem>>, vector<512x128xf32>
    tpu.vector_store %arg13[%swap3A_419, %swap3A_420], %select_n3A_416 {strides = array<i32>} : memref<4097x128xf32, #tpu.memory_space<vmem>>, vector<512x128xf32>,
    %get3A_422 = arith.constant 0 : index
    %get3A_423 = arith.constant 2560 : index
    %get3A_424 = arith.constant 0 : index
    %get3A_425 = vector.load %arg7[%get3A_422, %get3A_423, %get3A_424] : memref<1x3072x1xi32, #tpu.memory_space<vmem>>, vector<1x512x1xi32>
    %get3A_426 = vector.shape_cast %get3A_425 : vector<1x512x1xi32> to vector<512x1xi32>
    %get3A_427 = arith.constant 0 : index
    %get3A_428 = arith.constant 2560 : index
    %get3A_429 = arith.constant 0 : index
    %get3A_430 = vector.load %arg8[%get3A_427, %get3A_428, %get3A_429] : memref<1x3072x1xi32, #tpu.memory_space<vmem>>, vector<1x512x1xi32>
    %get3A_431 = vector.shape_cast %get3A_430 : vector<1x512x1xi32> to vector<512x1xi32>
    %convert_element_type3A_432 = arith.trunci %get3A_426 : vector<512x1xi32> to vector<512x1xi16>
    %eq3A_433 = vector.broadcast %convert_element_type3A_432 : vector<512x1xi16> to vector<512x1024xi16>
    %eq3A_434 = vector.broadcast %iota3A_103 : vector<1x1024xi16> to vector<512x1024xi16>
    %eq3A_435 = arith.cmpi eq, %eq3A_433, %eq3A_434 : vector<512x1024xi16>
    %jit3A_436 = arith.constant 1.000000e+00 : bf16
    %jit3A_437 = arith.constant 0.000000e+00 : bf16
    %broadcast_in_dim3A_438 = vector.broadcast %jit3A_436 : bf16 to vector<512x1024xbf16>
    %broadcast_in_dim3A_439 = vector.broadcast %jit3A_437 : bf16 to vector<512x1024xbf16>
    %select_n3A_440 = arith.select %eq3A_435, %broadcast_in_dim3A_438, %broadcast_in_dim3A_439 : vector<512x1024xi1>, vector<512x1024xbf16>
    %convert_element_type3A_441 = arith.trunci %get3A_431 : vector<512x1xi32> to vector<512x1xi16>
    %eq3A_442 = vector.broadcast %convert_element_type3A_441 : vector<512x1xi16> to vector<512x1024xi16>
    %eq3A_443 = vector.broadcast %iota3A_103 : vector<1x1024xi16> to vector<512x1024xi16>
    %eq3A_444 = arith.cmpi eq, %eq3A_442, %eq3A_443 : vector<512x1024xi16>
    %jit3A_445 = arith.constant 1.000000e+00 : bf16
    %jit3A_446 = arith.constant 0.000000e+00 : bf16
    %broadcast_in_dim3A_447 = vector.broadcast %jit3A_445 : bf16 to vector<512x1024xbf16>
    %broadcast_in_dim3A_448 = vector.broadcast %jit3A_446 : bf16 to vector<512x1024xbf16>
    %select_n3A_449 = arith.select %eq3A_444, %broadcast_in_dim3A_447, %broadcast_in_dim3A_448 : vector<512x1024xi1>, vector<512x1024xbf16>
    %concatenate3A_450 = tpu.concatenate %select_n3A_440, %select_n3A_449 in 1 : vector<512x1024xbf16>, vector<512x1024xbf16> -> vector<512x2048xbf16>
    %eq3A_451 = arith.cmpi eq, %get3A_426, %get3A_431 : vector<512x1xi32>
    %convert_element_type3A_452 = arith.extui %eq3A_451 : vector<512x1xi1> to vector<512x1xi32>
    %convert_element_type3A_453 = arith.sitofp %convert_element_type3A_452 : vector<512x1xi32> to vector<512x1xf32>
    %sub3A_454 = arith.subf %get3A_11, %get3A_8 : vector<1x128xf32>
    %mul3A_455 = vector.broadcast %convert_element_type3A_453 : vector<512x1xf32> to vector<512x128xf32>
    %mul3A_456 = vector.broadcast %sub3A_454 : vector<1x128xf32> to vector<512x128xf32>
    %mul3A_457 = arith.mulf %mul3A_455, %mul3A_456 : vector<512x128xf32>
    %add3A_458 = vector.broadcast %get3A_8 : vector<1x128xf32> to vector<512x128xf32>
    %add3A_459 = arith.addf %add3A_458, %mul3A_457 : vector<512x128xf32>
    %dot_general3A_460 = arith.constant dense<0.000000e+00> : vector<512x256xf32>
    %dot_general3A_461 = tpu.matmul %concatenate3A_450, %concatenate3A_85, %dot_general3A_460 {dimension_numbers = #tpu.dot_dimension_numbers<[1], [0], [0], [1], [0, 0, 1, 1], [], []>, transpose_lhs_hint = false} : vector<512x2048xbf16>, vector<2048x256xbf16>, vector<512x256xf32> -> vector<512x256xf32>
    %slice3A_462 = vector.extract_strided_slice %dot_general3A_461 {offsets = [0, 0], sizes = [512, 128], strides = [1, 1]} : vector<512x256xf32> to vector<512x128xf32>
    %slice3A_463 = vector.extract_strided_slice %dot_general3A_461 {offsets = [0, 128], sizes = [512, 128], strides = [1, 1]} : vector<512x256xf32> to vector<512x128xf32>
    %add3A_464 = arith.addf %slice3A_462, %slice3A_463 : vector<512x128xf32>
    %get3A_465 = arith.constant 2560 : index
    %get3A_466 = arith.constant 0 : index
    %get3A_467 = vector.load %arg17[%get3A_465, %get3A_466] : memref<3072x128xf32, #tpu.memory_space<vmem>>, vector<512x128xf32>
    %add3A_468 = arith.addf %get3A_467, %add3A_464 : vector<512x128xf32>
    %add3A_469 = arith.addf %add3A_468, %add3A_459 : vector<512x128xf32>
    %iota3A_470 = tpu.iota {dimensions = array<i32: 0>} : vector<512x1xi32>
    %add3A_471 = arith.constant 2560 : i32
    %add3A_472 = vector.broadcast %add3A_471 : i32 to vector<512x1xi32>
    %add3A_473 = arith.addi %iota3A_470, %add3A_472 : vector<512x1xi32>
    %lt3A_474 = vector.broadcast %mul3A_5 : i32 to vector<512x1xi32>
    %lt3A_475 = arith.cmpi slt, %add3A_473, %lt3A_474 : vector<512x1xi32>
    %jit3A_476 = arith.constant 0.000000e+00 : f32
    %broadcast_in_dim3A_477 = vector.shape_cast %lt3A_475 : vector<512x1xi1> to vector<512x1xi1>
    %broadcast_in_dim3A_478 = vector.broadcast %broadcast_in_dim3A_477 : vector<512x1xi1> to vector<512x128xi1>
    %broadcast_in_dim3A_479 = vector.broadcast %jit3A_476 : f32 to vector<512x128xf32>
    %select_n3A_480 = arith.select %broadcast_in_dim3A_478, %add3A_469, %broadcast_in_dim3A_479 : vector<512x128xi1>, vector<512x128xf32>
    %add3A_481 = arith.constant 2560 : i32
    %add3A_482 = arith.addi %get3A_0, %add3A_481 : i32
    %swap3A_483 = arith.index_cast %add3A_482 : i32 to index
    %swap3A_484 = arith.constant 0 : index
    %swap3A_485 = vector.load %arg13[%swap3A_483, %swap3A_484] : memref<4097x128xf32, #tpu.memory_space<vmem>>, vector<512x128xf32>
    tpu.vector_store %arg13[%swap3A_483, %swap3A_484], %select_n3A_480 {strides = array<i32>} : memref<4097x128xf32, #tpu.memory_space<vmem>>, vector<512x128xf32>,
    return
  }
  func.func @transform_0(%arg0: i32) -> i32 {
    %c0_i32 = arith.constant 0 : i32
    %c0_i32_0 = arith.constant 0 : i32
    return %c0_i32 : i32
  }
  func.func @transform_1(%arg0: i32) -> i32 {
    %c0_i32 = arith.constant 0 : i32
    %c0_i32_0 = arith.constant 0 : i32
    return %c0_i32 : i32
  }
  func.func @transform_2(%arg0: i32) -> i32 {
    %c0_i32 = arith.constant 0 : i32
    %c0_i32_0 = arith.constant 0 : i32
    return %c0_i32 : i32
  }
  func.func @transform_6(%arg0: i32) -> (i32, i32, i32) {
    %c0_i32 = arith.constant 0 : i32
    %c0_i32_0 = arith.constant 0 : i32
    %c0_i32_1 = arith.constant 0 : i32
    return %arg0, %c0_i32, %c0_i32_0 : i32, i32, i32
  }
  func.func @transform_7(%arg0: i32) -> (i32, i32, i32) {
    %c0_i32 = arith.constant 0 : i32
    %c0_i32_0 = arith.constant 0 : i32
    %c0_i32_1 = arith.constant 0 : i32
    return %arg0, %c0_i32, %c0_i32_0 : i32, i32, i32
  }
  func.func @transform_8(%arg0: i32) -> (i32, i32) {
    %c0_i32 = arith.constant 0 : i32
    %c0_i32_0 = arith.constant 0 : i32
    %c0_i32_1 = arith.constant 0 : i32
    return %c0_i32, %c0_i32_0 : i32, i32
  }
  func.func @transform_9(%arg0: i32) -> (i32, i32) {
    %c0_i32 = arith.constant 0 : i32
    %c0_i32_0 = arith.constant 0 : i32
    %c0_i32_1 = arith.constant 0 : i32
    return %c0_i32, %c0_i32_0 : i32, i32
  }
  func.func @transform_10(%arg0: i32) -> (i32, i32) {
    %c0_i32 = arith.constant 0 : i32
    %c0_i32_0 = arith.constant 0 : i32
    %c0_i32_1 = arith.constant 0 : i32
    return %c0_i32, %c0_i32_0 : i32, i32
  }
  func.func @transform_11(%arg0: i32) -> (i32, i32) {
    %c0_i32 = arith.constant 0 : i32
    %c0_i32_0 = arith.constant 0 : i32
    %c0_i32_1 = arith.constant 0 : i32
    return %c0_i32, %c0_i32_0 : i32, i32
  }
  func.func @transform_12(%arg0: i32) -> (i32, i32) {
    %c0_i32 = arith.constant 0 : i32
    %c0_i32_0 = arith.constant 0 : i32
    return %c0_i32, %arg0 : i32, i32
  }
  func.func @transform_13(%arg0: i32) -> (i32, i32, i32) {
    %c0_i32 = arith.constant 0 : i32
    %c0_i32_0 = arith.constant 0 : i32
    %c0_i32_1 = arith.constant 0 : i32
    return %arg0, %c0_i32, %c0_i32_0 : i32, i32, i32
  }
  func.func @transform_14(%arg0: i32) -> (i32, i32, i32) {
    %c0_i32 = arith.constant 0 : i32
    %c0_i32_0 = arith.constant 0 : i32
    %c0_i32_1 = arith.constant 0 : i32
    return %arg0, %c0_i32, %c0_i32_0 : i32, i32, i32
  }
}

</mosaic_0001>

<sc_bundles>
// kernel: kernel.4.cloned.1.call-start
scs
__scs_entry_jumppad:
0x0: {  	(pc) =	sbr.rel $0x88, $3  }
0x1: {  	(tag) =	ssettag $0x0;
	lr =	simm.s32 $0x1  }
0x2: {  	[smem:$0x3F9A] =	sst lr;
	_ =	strace $0xD0000000  }
0x3: {  	_ = 	snop  }
0x4: {  	_ = 	snop  }
0x5: {  	_ = 	snop  }
0x6: {  	_ = 	snop  }
0x7: {  	_ = 	snop  }
__scs_overlays_trampoline_lowered:
0x8: {  	[smem:$0x3FA9] =	sst s0  }
0x9: {  	[smem:$0x3FAA] =	sst s1  }
0xa: {  	[smem:$0x3FAB] =	sst s2  }
0xb: {  	[smem:$0x3FAC] =	sst s3  }
0xc: {  	[smem:$0x3FAD] =	sst s4  }
0xd: {  	[smem:$0x3FAE] =	sst s5  }
0xe: {  	[smem:$0x3FAF] =	sst s6  }
0xf: {  	[smem:$0x3FB0] =	sst s7  }
0x10: {  	[smem:$0x3FB1] =	sst s8  }
0x11: {  	[smem:$0x3FB2] =	sst s9;
	s0 =	simm.s32 @!p0 $0x0  }
0x12: {  	s1 =	sld [smem:$0x3F98];
	s0 =	simm.s32 @p0 $0x1  }
0x13: {  	[smem:$0x3FB3] =	sst s0;
	s0 =	simm.s32 @!p1 $0x0  }
0x14: {  	s2 =	sld [smem:$0x3F97];
	s0 =	simm.s32 @p1 $0x1  }
0x15: {  	[smem:$0x3FB4] =	sst s0;
	s0 =	simm.s32 @!p2 $0x0  }
0x16: {  	s3 =	sld [smem:$0x3FDB];
	s0 =	simm.s32 @p2 $0x1  }
0x17: {  	s4 =	simm.s32 $0x1BF5;
	[smem:$0x3FB6] =	sst s0  }
0x18: {  	s0 =	sld [smem:$0x3F99];
	_ =	swait.ge [sflag:s4], $0x0  }
0x19: {  	s7 =	sld [smem:$0x3F9A]  }
0x1a: {  	s8 =	sadd.s32 $0xFFFFE003, lr  }
0x1b: {  	s9 =	sadd.s32 $0xFFFFFEF7, lr;
	s5 =	simm.s32 $0xFFFFFFFF;
	p2 =	slt.u32 s8, $0xFFFFF086  }
0x1c: {  	p1 =	slt.u32 s9, $0xF7A;
	s5 =	simm.s32 @!p2 $0x0  }
0x1d: {  	s5 =	simm.s32 @p1 $0x1;
	p0 =	seq.s32 s7, s2  }
0x1e: {  	s7 =	smul.u32 @!p0 $0xF7A, s2;
	p2 =	seq.s32 @!p0 s5, $0x0  }
0x1f: {  	s9 =	smul.u32 $0xF7A, s1;
	s8 =	simm.s32 @!p0 $0x1BF5;
	p2 =	por !p2, p0  }
0x20: {  	[sflag:s8] =	ssyncset.s32 @!p0 $0xFFFFF086;
	s6 =	sadd.s32 @!p0 s3, s7;
	s7 =	simm.s32 @!p0 $0x108  }
0x21: {  	s3 =	sadd.s32 s3, s9;
	s6 =	sadd.s32 @!p0 $0x88, s6;
	s7 =	simm.s32 @p2 $0x1082  }
0x22: {  	[simem:s7], [sflag:s8] =	dma.local @!p0 [hbm:s6], $0xF7A  }
0x23: {  	s9 =	sor.u32 $0xD0000000, s2;
	s6 =	simm.s32 $0x108;
	_ =	swait.ge @!p0 [sflag:s8], $0x0  }
0x24: {  	s3 =	sadd.s32 $0x88, s3;
	s6 =	simm.s32 @!p1 $0x1082;
	[sflag:s4] =	ssyncset.s32 $0xFFFFF086  }
0x25: {  	[simem:s6], [sflag:s4] =	dma.local [hbm:s3], $0xF7A  }
0x26: {  	[smem:$0x3F9A] =	sst s1;
	(tag) =	ssettag s2;
	_ =	strace s9  }
0x27: {  	s1 =	sld [smem:$0x3FAA]  }
0x28: {  	s2 =	sld [smem:$0x3FAB]  }
0x29: {  	s4 =	sld [smem:$0x3FAD]  }
0x2a: {  	p0 =	seq.s32 s5, $0x0;
	s5 =	sld [smem:$0x3FAE]  }
0x2b: {  	s6 =	sld [smem:$0x3FAF]  }
0x2c: {  	s7 =	sld [smem:$0x3FB0]  }
0x2d: {  	s3 =	simm.s32 $0x108;
	s8 =	sld [smem:$0x3FB1]  }
0x2e: {  	s3 =	simm.s32 @!p0 $0x1082;
	s9 =	sld [smem:$0x3FB2]  }
0x2f: {  	lr =	sadd.s32 s0, s3;
	s0 =	sld [smem:$0x3FA9]  }
0x30: {  	s3 =	sld [smem:$0x3FAC]  }
0x31: {  	[smem:$0x3FB5] =	sst s10  }
0x32: {  	s10 =	sld [smem:$0x3FB3];
	_ =	sdelay $0x3  }
0x33: {  	p0 =	seq.s32 s10, $0x1;
	s10 =	sld [smem:$0x3FB5];
	_ =	sdelay $0x3  }
0x34: {  	[smem:$0x3FB5] =	sst s10  }
0x35: {  	s10 =	sld [smem:$0x3FB4];
	_ =	sdelay $0x3  }
0x36: {  	p1 =	seq.s32 s10, $0x1;
	s10 =	sld [smem:$0x3FB5];
	_ =	sdelay $0x3  }
0x37: {  	[smem:$0x3FB5] =	sst s10  }
0x38: {  	s10 =	sld [smem:$0x3FB6]  }
0x39: {  	_ = 	snop;
	(pc) =	sbr.ind lr, $3  }
0x3a: {  	_ = 	snop  }
0x3b: {  	_ = 	snop  }
0x3c: {  	p2 =	seq.s32 s10, $0x1;
	s10 =	sld [smem:$0x3FB5]  }
0x3d: {  	_ =	shalt  }
0x3e: {  	_ =	shalt  }
0x3f: {  	_ =	shalt  }
0x40: {  	_ =	shalt  }
0x41: {  	_ =	shalt  }
0x42: {  	_ =	shalt  }
0x43: {  	_ =	shalt  }
0x44: {  	_ =	shalt  }
0x45: {  	_ =	shalt  }
0x46: {  	_ =	shalt  }
0x47: {  	_ =	shalt  }
0x48: {  	_ =	shalt  }
0x49: {  	_ =	shalt  }
0x4a: {  	_ =	shalt  }
0x4b: {  	_ =	shalt  }
0x4c: {  	_ =	shalt  }
0x4d: {  	_ =	shalt  }
0x4e: {  	_ =	shalt  }
0x4f: {  	_ =	shalt  }
0x50: {  	_ =	shalt  }
0x51: {  	_ =	shalt  }
0x52: {  	_ =	shalt  }
0x53: {  	_ =	shalt  }
0x54: {  	_ =	shalt  }
0x55: {  	_ =	shalt  }
0x56: {  	_ =	shalt  }
0x57: {  	_ =	shalt  }
0x58: {  	_ =	shalt  }
0x59: {  	_ =	shalt  }
0x5a: {  	_ =	shalt  }
0x5b: {  	_ =	shalt  }
0x5c: {  	_ =	shalt  }
0x5d: {  	_ =	shalt  }
0x5e: {  	_ =	shalt  }
0x5f: {  	_ =	shalt  }
0x60: {  	_ =	shalt  }
0x61: {  	_ =	shalt  }
0x62: {  	_ =	shalt  }
0x63: {  	_ =	shalt  }
0x64: {  	_ =	shalt  }
0x65: {  	_ =	shalt  }
0x66: {  	_ =	shalt  }
0x67: {  	_ =	shalt  }
0x68: {  	_ =	shalt  }
0x69: {  	_ =	shalt  }
0x6a: {  	_ =	shalt  }
0x6b: {  	_ =	shalt  }
0x6c: {  	_ =	shalt  }
0x6d: {  	_ =	shalt  }
0x6e: {  	_ =	shalt  }
0x6f: {  	_ =	shalt  }
0x70: {  	_ =	shalt  }
0x71: {  	_ =	shalt  }
0x72: {  	_ =	shalt  }
0x73: {  	_ =	shalt  }
0x74: {  	_ =	shalt  }
0x75: {  	_ =	shalt  }
0x76: {  	_ =	shalt  }
0x77: {  	_ =	shalt  }
0x78: {  	_ =	shalt  }
0x79: {  	_ =	shalt  }
0x7a: {  	_ =	shalt  }
0x7b: {  	_ =	shalt  }
0x7c: {  	_ =	shalt  }
0x7d: {  	_ =	shalt  }
0x7e: {  	_ =	shalt  }
0x7f: {  	_ =	shalt  }
0x80: {  	_ =	shalt  }
0x81: {  	_ =	shalt  }
0x82: {  	_ =	shalt  }
0x83: {  	_ =	shalt  }
0x84: {  	_ =	shalt  }
0x85: {  	_ =	shalt  }
0x86: {  	_ =	shalt  }
0x87: {  	_ =	shalt  }
.Lfunc_end0:
.L_simem_size_0:
called_computation_lowered:
.L_overlay_start_0:
0x88: {  	s2 =	sld [smem:$0x3FD9]  }
0x89: {  	s3 =	sld [smem:$0x3FFE];
	_ =	sdelay $0x1  }
0x8a: {  	s1 =	srdreg.scid  }
0x8b: {  	s0 =	sand.u32 $0x1, s1  }
0x8c: {  	s17 =	sshll.u32 s0, $0xA;
	s2 =	sadd.s32 s3, s2  }
0x8d: {  	s2 =	sadd.s32 s2, s17  }
0x8e: {  	[smem:$0x3FC1] =	sst s2  }
0x8f: {  	_ = 	snop  }
0x90: {  	s2 =	sld [smem:$0x3FC6]  }
0x91: {  	s18 =	sld [smem:$0x3FC3];
	(tm) =	ssettm $0x1  }
0x92: {  	s4 =	sld [smem:$0x3FFB];
	_ =	sdelay $0x3  }
0x93: {  	_ =	strace s4  }
0x94: {  	s4 =	sld [smem:$0x3FFC];
	_ =	sdelay $0x3  }
0x95: {  	_ =	strace s4  }
0x96: {  	s4 =	sld [smem:$0x3FFD];
	_ =	sdelay $0x3  }
0x97: {  	_ =	strace s4  }
0x98: {  	_ =	strace $0x8FFFFFFF  }
0x99: {  	s19 =	sld [smem:$0x3FDB];
	_ =	sdelay $0x1  }
0x9a: {  	s5 =	simm.s32 $_scs_section_size  }
0x9b: {  	s6 =	simm.s32 $_size__tile_overlayer_lowered;
	s7 =	simm.s32 $_tile_overlayer_lowered  }
0x9c: {  	s22 =	simm.s32 $0x1BFF;
	s21 =	sshll.u32 s7, $0x1;
	s4 =	sadd.s32 s5, s19  }
0x9d: {  	s8 =	simm.s32 $0x0;
	s20 =	sshll.u32 s6, $0x1;
	s6 =	sadd.s32 s21, s4  }
0x9e: {  	[timem:s8], [sflag:s22] =	dma.local [hbm:s6], s20  }
0x9f: {  	_ =	swait.ge [sflag:s22], s20  }
0xa0: {  	s5 =	ssub.s32 $0x0, s20;
	[sflag:s22] =	ssyncset.done $0x0  }
0xa1: {  	[sflag:s22] =	ssyncadd.s32 s5;
	_ =	sdelay $0x1  }
0xa2: {  	s23 =	simm.s32 $0x1B8B  }
0xa3: {  	_ =	swait.ge [sflag:s23], $0x1  }
0xa4: {  	[sflag:s23] =	ssyncset.done $0x0  }
0xa5: {  	s25 =	simm.s32 $0x1B8E;
	s24 =	sld [smem:$0x3FFE];
	[sflag:s23] =	ssyncadd.s32 $0xFFFFFFFF  }
0xa6: {  	s26 =	simm.s32 $execute0_lowered;
	[smem:$0x3FD2] =	sst s25  }
0xa7: {  	s6 =	sshll.u32 s26, $0x1;
	_ =	strace $0x80000046;
	[dreg:$0x1] =	wrdreg $0xFFFFFFFF  }
0xa8: {  	s28 =	simm.s32 $_size_execute0_lowered;
	s4 =	sadd.s32 s4, s6;
	[dreg:$0x0] =	wrdreg $0x0  }
0xa9: {  	s6 =	sshll.u32 s28, $0x1;
	[dreg:$0x2] =	wrdreg s4  }
0xaa: {  	[dreg:$0x3] =	wrdreg s6  }
0xab: {  	[dreg:$0x4] =	wrdreg $0xC0  }
0xac: {  	_ =	task [dreg:s8], $0x5FFFF  }
0xad: {  	[dreg:$0x1] =	wrdreg $0xFFFFFFFF  }
0xae: {  	[dreg:$0x0] =	wrdreg $0x60  }
0xaf: {  	[dreg:$0x2] =	wrdreg s2  }
0xb0: {  	[dreg:$0x3] =	wrdreg s18  }
0xb1: {  	[dreg:$0x4] =	wrdreg s24  }
0xb2: {  	[dreg:$0x5] =	wrdreg $0x9  }
0xb3: {  	_ =	task.clear_ibuf [dreg:s8], $0x6FFFF;
	_ =	strace $0x90000046  }
0xb4: {  	s29 =	simm.s32 $0x9;
	_ =	strace $0x80000048  }
0xb5: {  	_ =	swait.ge [sflag:s29], $0x1  }
0xb6: {  	[sflag:s29] =	ssyncadd.s32 $0xFFFFFFFF  }
0xb7: {  	_ =	strace $0x90000048  }
0xb8: {  	_ =	sfence  }
0xb9: {  	s30 =	sld [smem:$0x0];
	_ =	sdelay $0x2  }
0xba: {  	s31 =	sshll.u32 s1, $0xD;
	s1 =	sshrl.u32 s1, $0x2  }
0xbb: {  	s3 =	sand.u32 $0x4000, s31;
	s1 =	sadd.s32 s1, s30  }
0xbc: {  	s0 =	sor.u32 s3, s0;
	s1 =	sshll.u32 s1, $0x11  }
0xbd: {  	s0 =	sor.u32 s1, s0  }
0xbe: {  	s0 =	sadd.s32 $0x8F2B, s0  }
0xbf: {  	[sflag:s0] =	ssyncadd.remote.s32 $0x1  }
0xc0: {  	_ =	sfence.sel $0xFFFF  }
0xc1: {  	[dreg:$0x0] =	wrdreg $0xFFFFFFFF;
	(pc) =	sbr.abs _section_cstart, $3  }
0xc2: {  	[dreg:$0x1] =	wrdreg $0xFFFFFFFF  }
0xc3: {  	_ =	task.clear_ibuf [dreg:s8], $0x2FFFF;
	_ =	strace $0x9FFFFFFF  }
0xc4: {  	(tm) =	ssettm $0x7FFFFFFF  }
0xc5: {  	_ =	shalt  }
tec
execute0_lowered:
.L_overlay_start_1:
0x0: {  	(tag) =	ssettag $0x1  }
0x1: {  	s4 =	rddreg [dreg:$0x0]  }
0x2: {  	s1 =	srdreg.scid;
	s0 =	stileid.u32  }
0x3: {  	s2 =	rddreg [dreg:$0x1];
	s14 =	sand.u32 $0x1, s1;
	s28 =	sshll.u32 s0, $0x1  }
0x4: {  	s12 =	rddreg [dreg:$0x2];
	s13 =	sor.u32 s14, s28  }
0x5: {  	s3 =	simm.s32 $0x0;
	s1 =	rddreg [dreg:$0x3];
	s5 =	smul.u32 $0x1B, s13  }
0x6: {  	[smem:$0x7FF] =	sst s3  }
0x7: {  	_ =	strace $0x80000047;
	s5 =	sadd.s32 s4, s5;
	s4 =	simm.s32 $0x2  }
0x8: {  	[tilespmem:s3], [sflag:$0x2] =	stream.linear.gather [hbm4b:s5+s3], $0xD8, $0x38;
	[tilespmem:$0x6D00] =	vst v63  }
0x9: {  	_ =	swait.ge [sflag:s4], $0xD8  }
0xa: {  	[sflag:s4] =	ssyncset.done $0x0  }
0xb: {  	s6 =	simm.s32 $0x48;
	s7 =	simm.s32 $0x100;
	[sflag:s4] =	ssyncadd.s32 $0xFFFFFF28  }
0xc: {  	[tilespmem:s7], [sflag:$0x1] =	stream.indirect.gather [hbm4b:s2+s6], $0x80, s3, s6, $0xb8;
	[tilespmem:$0x6D00] =	vst v63  }
0xd: {  	s8 =	simm.s32 $0x2500  }
0xe: {  	[tilespmem:s8], [sflag:$0x1] =	stream.indirect.gather [hbm4b:s2+s6], $0x80, s6, s6, $0xb8;
	[tilespmem:$0x6D00] =	vst v63  }
0xf: {  	s9 =	simm.s32 $0x90;
	s10 =	simm.s32 $0x4900;
	s11 =	simm.s32 $0x1  }
0x10: {  	[tilespmem:s10], [sflag:$0x1] =	stream.indirect.gather [hbm4b:s2+s6], $0x80, s9, s6, $0xb8;
	[tilespmem:$0x6D00] =	vst v63  }
0x11: {  	s15 =	smul.u32 $0xD80, s13;
	_ =	swait.ge [sflag:s11], $0x2400  }
0x12: {  	s16 =	sadd.s32 $0x1A00, s12;
	[sflag:s11] =	ssyncset.done $0x0  }
0x13: {  	s12 =	sadd.s32 s16, s15;
	[sflag:s11] =	ssyncadd.s32 $0xFFFFDC00  }
0x14: {  	[hbm4b:s12+s3] =	stream.linear.scatter [tilespmem:s7], [sflag:$0x2], $0x2400, $0x38;
	[tilespmem:$0x6D00] =	vst v63  }
0x15: {  	_ =	swait.ge [sflag:s4], $0x2400  }
0x16: {  	s13 =	smul.u32 $0x6C00, s13;
	[sflag:s4] =	ssyncset.done $0x0  }
0x17: {  	[sflag:s4] =	ssyncadd.s32 $0xFFFFDC00  }
0x18: {  	s13 =	sshrl.u32 s13, $0x3;
	_ =	swait.ge [sflag:s11], $0x2400  }
0x19: {  	s29 =	sadd.s32 s16, s13;
	[sflag:s11] =	ssyncset.done $0x0  }
0x1a: {  	s14 =	ssub.s32 $0x2, s14;
	s13 =	sadd.s32 $0x480, s29;
	[sflag:s11] =	ssyncadd.s32 $0xFFFFDC00  }
0x1b: {  	[hbm4b:s13+s3] =	stream.linear.scatter [tilespmem:s8], [sflag:$0x2], $0x2400, $0x38;
	[tilespmem:$0x6D00] =	vst v63  }
0x1c: {  	s30 =	sshrl.u32 s14, $0x1;
	_ =	swait.ge [sflag:s4], $0x2400  }
0x1d: {  	s16 =	ssub.s32 s14, s30;
	[sflag:s4] =	ssyncset.done $0x0  }
0x1e: {  	s31 =	smax.u32 s16, $0x1;
	[sflag:s4] =	ssyncadd.s32 $0xFFFFDC00  }
0x1f: {  	p0 =	sne.s32 s31, $0x1;
	_ =	swait.ge [sflag:s11], $0x2400  }
.Ltmp0:
0x20: {  	[sflag:s11] =	ssyncset.done $0x0;
	(pc) =	sbr.rel @!p0 .LBB2_2-.Ltmp0, $4  }
0x21: {  	s14 =	sadd.s32 $0x900, s29;
	[sflag:s11] =	ssyncadd.s32 $0xFFFFDC00  }
0x22: {  	[hbm4b:s14+s3] =	stream.linear.scatter [tilespmem:s10], [sflag:$0x2], $0x2400, $0x38;
	[tilespmem:$0x6D00] =	vst v63  }
0x23: {  	_ =	swait.ge [sflag:s4], $0x2400  }
0x24: {  	s15 =	sadd.s32 $0xFFFFFFFF, s31;
	[sflag:s4] =	ssyncset.done $0x0  }
.LBB2_1:
0x25: {  	p0 =	sne.s32 s15, $0x1;
	s15 =	sadd.s32 $0xFFFFFFFF, s15;
	[sflag:s4] =	ssyncadd.s32 $0xFFFFDC00  }
0x26: {  	[tilespmem:s3], [sflag:$0x2] =	stream.linear.gather [hbm4b:s5+s3], $0xD8, $0x38;
	[tilespmem:$0x6D00] =	vst v63  }
0x27: {  	_ =	swait.ge [sflag:s4], $0xD8  }
0x28: {  	[sflag:s4] =	ssyncset.done $0x0  }
0x29: {  	[sflag:s4] =	ssyncadd.s32 $0xFFFFFF28  }
0x2a: {  	[tilespmem:s7], [sflag:$0x1] =	stream.indirect.gather [hbm4b:s2+s6], $0x80, s3, s6, $0xb8;
	[tilespmem:$0x6D00] =	vst v63  }
0x2b: {  	_ = 	snop  }
0x2c: {  	[tilespmem:s8], [sflag:$0x1] =	stream.indirect.gather [hbm4b:s2+s6], $0x80, s6, s6, $0xb8;
	[tilespmem:$0x6D00] =	vst v63  }
0x2d: {  	_ = 	snop  }
0x2e: {  	[tilespmem:s10], [sflag:$0x1] =	stream.indirect.gather [hbm4b:s2+s6], $0x80, s9, s6, $0xb8;
	[tilespmem:$0x6D00] =	vst v63  }
0x2f: {  	_ =	swait.ge [sflag:s11], $0x2400  }
0x30: {  	[sflag:s11] =	ssyncset.done $0x0  }
0x31: {  	[sflag:s11] =	ssyncadd.s32 $0xFFFFDC00  }
0x32: {  	[hbm4b:s12+s3] =	stream.linear.scatter [tilespmem:s7], [sflag:$0x2], $0x2400, $0x38;
	[tilespmem:$0x6D00] =	vst v63  }
0x33: {  	_ =	swait.ge [sflag:s4], $0x2400  }
0x34: {  	[sflag:s4] =	ssyncset.done $0x0  }
0x35: {  	[sflag:s4] =	ssyncadd.s32 $0xFFFFDC00  }
0x36: {  	_ =	swait.ge [sflag:s11], $0x2400  }
0x37: {  	[sflag:s11] =	ssyncset.done $0x0  }
0x38: {  	[sflag:s11] =	ssyncadd.s32 $0xFFFFDC00  }
0x39: {  	[hbm4b:s13+s3] =	stream.linear.scatter [tilespmem:s8], [sflag:$0x2], $0x2400, $0x38;
	[tilespmem:$0x6D00] =	vst v63  }
0x3a: {  	_ =	swait.ge [sflag:s4], $0x2400  }
0x3b: {  	[sflag:s4] =	ssyncset.done $0x0  }
0x3c: {  	[sflag:s4] =	ssyncadd.s32 $0xFFFFDC00  }
0x3d: {  	_ =	swait.ge [sflag:s11], $0x2400  }
.Ltmp1:
0x3e: {  	[sflag:s11] =	ssyncset.done $0x0;
	(pc) =	sbr.rel @p0 .LBB2_1-.Ltmp1, $4  }
0x3f: {  	[sflag:s11] =	ssyncadd.s32 $0xFFFFDC00  }
0x40: {  	[hbm4b:s14+s3] =	stream.linear.scatter [tilespmem:s10], [sflag:$0x2], $0x2400, $0x38;
	[tilespmem:$0x6D00] =	vst v63  }
0x41: {  	_ =	swait.ge [sflag:s4], $0x2400  }
0x42: {  	[sflag:s4] =	ssyncset.done $0x0  }
.LBB2_2:
0x43: {  	[sflag:s4] =	ssyncadd.s32 $0xFFFFDC00  }
0x44: {  	_ =	sfence.sel $0x180000  }
0x45: {  	[bflag:$0x0] =	sbarrier.arrive $0xFFFF  }
0x46: {  	p0 =	sne.s32 s0, $0x0;
	_ =	strace $0x90000047  }
0x47: {  	s0 =	sadd.s32 @!p0 $0x100000, s1;
	[bflag:$0x2] =	sbarrier.arrive $0xFFFF  }
0x48: {  	[sflag:s0] =	ssyncadd.tile.s32 @!p0 $0x1;
	_ =	shalt  }
.Lfunc_end2:
_tile_overlayer_lowered:
.L_overlay_start_2:
0x49: {  	(tag) =	ssettag $0x2  }
0x4a: {  	s0 =	rddreg [dreg:$0x0];
	s2 =	stileid.u32  }
0x4b: {  	s1 =	rddreg [dreg:$0x1];
	p0 =	sne.s32 s2, $0x0  }
0x4c: {  	s3 =	rddreg [dreg:$0x2];
	[bflag:$0x3] =	sbarrier.arrive $0xFFFF;
	s2 =	simm.s32 @!p0 $0x1C02  }
0x4d: {  	[timem:s3], [sflag:s2] =	dma.local @!p0 [hbm:s0], s1  }
0x4e: {  	s0 =	simm.s32 @!p0 $0x2  }
0x4f: {  	_ =	swait.ge @!p0 [sflag:s0], s1  }
0x50: {  	s1 =	ssub.s32 @!p0 $0x0, s1;
	[sflag:s0] =	ssyncset.done @!p0 $0x0  }
0x51: {  	[sflag:s0] =	ssyncadd.s32 @!p0 s1  }
0x52: {  	[bflag:$0x3] =	sbarrier.arrive $0xFFFF  }
0x53: {  	_ =	shalt  }

</sc_bundles>
